<compile_context>
chip_gen: v7x
topology: tpu7x:2x2x1
jax: 0.10.2.dev20260603
libtpu: 0.0.44.dev20260713+nightly
codegen_flags: <defaults>
</compile_context>

<pallas_src>
import jax
import jax.numpy as jnp
from jax.experimental import pallas as pl
from jax.experimental.pallas import tpu as pltpu
from jax.experimental.pallas import tpu_sc as plsc

D = 768
H = 12
HD = 64
E = 64
K = 2
FFN = 64
SCALE = 0.1
NEG = -1e30

_F32 = jnp.float32
_BF16 = jnp.bfloat16


def _ln_qkv_kernel(x_ref, lnw_ref, lnb_ref, w_ref, b_ref, o_ref):
    x = x_ref[0].astype(_F32)
    m = jnp.mean(x, axis=1, keepdims=True)
    v = jnp.mean((x - m) ** 2, axis=1, keepdims=True)
    xn = (x - m) / jnp.sqrt(v + 1e-5) * lnw_ref[...] + lnb_ref[...]
    y = jnp.dot(xn.astype(_BF16), w_ref[...], preferred_element_type=_F32)
    y = y + b_ref[...]
    o_ref[0] = y.astype(_BF16)


def _attn_kernel(q_ref, k_ref, v_ref, x_ref, w_ref, b_ref, rw_ref,
                 o_ref, l_ref):
    b = pl.program_id(0)
    i = pl.program_id(1)
    hp = pl.program_id(2)
    q2 = q_ref[0]
    k2 = k_ref[0]
    v2 = v_ref[0]
    CK = 256
    S_FULL = k2.shape[0]
    outs = []
    for h in range(2):
        q = q2[:, h * HD:(h + 1) * HD]
        acc = None
        den = None
        for c in range(S_FULL // CK):
            kc = k2[c * CK:(c + 1) * CK, h * HD:(h + 1) * HD]
            vc = v2[c * CK:(c + 1) * CK, h * HD:(h + 1) * HD]
            s = jax.lax.dot_general(q, kc, (((1,), (1,)), ((), ())),
                                    preferred_element_type=_F32)
            e = jnp.exp(s)
            d = jnp.sum(e, axis=1, keepdims=True)
            o = jnp.dot(e.astype(_BF16), vc, preferred_element_type=_F32)
            acc = o if acc is None else acc + o
            den = d if den is None else den + d
        outs.append((acc * (1.0 / den)).astype(_BF16))
    o2 = jnp.concatenate(outs, axis=1)
    po = jnp.dot(o2, w_ref[...], preferred_element_type=_F32)

    @pl.when(hp == 0)
    def _():
        o_ref[0] = x_ref[0] + b_ref[...]

    o_ref[0] += po

    @pl.when(jnp.logical_and(i == 0, hp == H // 2 - 1))
    def _():
        row0 = o_ref[0][0:1, :]
        lb = jnp.dot(row0.astype(_BF16), rw_ref[...].astype(_BF16),
                     preferred_element_type=_F32)
        rows = jax.lax.broadcasted_iota(jnp.int32, (8, E), 0)

        @pl.when(b == 0)
        def _():
            l_ref[...] = jnp.where(rows == 0, lb, 0.0)

        @pl.when(b != 0)
        def _():
            l_ref[...] = jnp.where(rows == 1, lb, l_ref[...])


def _sc_router_body(l_hbm, idx_hbm, val_hbm, lbuf, ibuf, vbuf, sem):
    core = jax.lax.axis_index("core")

    @pl.when(core == 0)
    def _():
        pltpu.async_copy(l_hbm, lbuf, sem).wait()
        for b in range(2):
            vbuf[b, 0] = lbuf[b, 0]
            ibuf[b, 0] = 0

            @pl.loop(1, E)
            def _(i):
                v = lbuf[b, i]

                @pl.when(v > vbuf[b, 0])
                def _():
                    vbuf[b, 0] = v
                    ibuf[b, 0] = i

            vbuf[b, 1] = NEG
            ibuf[b, 1] = 0

            @pl.loop(0, E)
            def _(i):
                v = lbuf[b, i]

                @pl.when(jnp.logical_and(i != ibuf[b, 0], v > vbuf[b, 1]))
                def _():
                    vbuf[b, 1] = v
                    ibuf[b, 1] = i

        pltpu.async_copy(ibuf, idx_hbm, sem).wait()
        pltpu.async_copy(vbuf, val_hbm, sem).wait()


def _mlp_moe_kernel(idx_ref, g_ref, x_ref, lnw_ref, lnb_ref, wfc_ref, bfc_ref,
                    wpr_ref, bpr_ref, dw_ref, db_ref, uw_ref, ub_ref, o_ref):
    b = pl.program_id(0)
    k = pl.program_id(2)
    x = x_ref[0]

    @pl.when(k == 0)
    def _():
        m = jnp.mean(x, axis=1, keepdims=True)
        v = jnp.mean((x - m) ** 2, axis=1, keepdims=True)
        xn = (x - m) / jnp.sqrt(v + 1e-5) * lnw_ref[...] + lnb_ref[...]
        h = jnp.dot(xn.astype(_BF16), wfc_ref[...],
                    preferred_element_type=_F32)
        h = h + bfc_ref[...]
        h = h * jax.nn.sigmoid(1.702 * h)
        y = jnp.dot(h.astype(_BF16), wpr_ref[...],
                    preferred_element_type=_F32)
        o_ref[0] = y + bpr_ref[...] + x

    l1 = g_ref[b, 0]
    l2 = g_ref[b, 1]
    g1 = 1.0 / (1.0 + jnp.exp(l2 - l1))
    g = jnp.where(k == 0, g1, 1.0 - g1) * SCALE
    xh = x.astype(_BF16)
    hh = jnp.dot(xh, dw_ref[0].astype(_BF16),
                 preferred_element_type=_F32) + db_ref[0]
    hh = jnp.maximum(hh, 0.0)
    up = jnp.dot(hh.astype(_BF16), uw_ref[0].astype(_BF16),
                 preferred_element_type=_F32)
    o_ref[0] += g * (up + ub_ref[0])


def kernel(x, in_proj_w, in_proj_b, out_proj_w, out_proj_b, ln1_w, ln1_b,
           ln2_w, ln2_b, c_fc_w, c_fc_b, c_proj_w, c_proj_b, router,
           down_w, down_b, up_w, up_b):
    S, B, _ = x.shape
    BS = 1024
    BQ = 2048
    nS = S // BS

    xb = jnp.transpose(x, (1, 0, 2))
    qscale = jnp.concatenate([jnp.full((D,), 0.125, _F32),
                              jnp.ones((2 * D,), _F32)])
    w_in = (in_proj_w.T * qscale).astype(_BF16)
    in_proj_b = in_proj_b * qscale
    w_out = out_proj_w.T.astype(_BF16)
    w_fc = c_fc_w.T.astype(_BF16)
    w_pr = c_proj_w.T.astype(_BF16)
    db2 = down_b.reshape(E, 1, FFN)
    ub2 = up_b.reshape(E, 1, D)

    seq = ("arbitrary",)

    BS1 = 512
    qkv = pl.pallas_call(
        _ln_qkv_kernel,
        grid=(B, S // BS1),
        in_specs=[
            pl.BlockSpec((1, BS1, D), lambda b, i: (b, i, 0)),
            pl.BlockSpec((1, D), lambda b, i: (0, 0)),
            pl.BlockSpec((1, D), lambda b, i: (0, 0)),
            pl.BlockSpec((D, 3 * D), lambda b, i: (0, 0)),
            pl.BlockSpec((1, 3 * D), lambda b, i: (0, 0)),
        ],
        out_specs=pl.BlockSpec((1, BS1, 3 * D), lambda b, i: (b, i, 0)),
        out_shape=jax.ShapeDtypeStruct((B, S, 3 * D), _BF16),
        compiler_params=pltpu.CompilerParams(
            dimension_semantics=seq * 2),
    )(xb, ln1_w.reshape(1, D), ln1_b.reshape(1, D), w_in,
      in_proj_b.reshape(1, 3 * D))

    HP = H // 2
    x1, logits = pl.pallas_call(
        _attn_kernel,
        grid=(B, S // BQ, HP),
        in_specs=[
            pl.BlockSpec((1, BQ, 2 * HD), lambda b, i, h: (b, i, h)),
            pl.BlockSpec((1, S, 2 * HD), lambda b, i, h: (b, 0, HP + h)),
            pl.BlockSpec((1, S, 2 * HD), lambda b, i, h: (b, 0, 2 * HP + h)),
            pl.BlockSpec((1, BQ, D), lambda b, i, h: (b, i, 0)),
            pl.BlockSpec((2 * HD, D), lambda b, i, h: (h, 0)),
            pl.BlockSpec((1, D), lambda b, i, h: (0, 0)),
            pl.BlockSpec((D, E), lambda b, i, h: (0, 0)),
        ],
        out_specs=[
            pl.BlockSpec((1, BQ, D), lambda b, i, h: (b, i, 0)),
            pl.BlockSpec((8, E), lambda b, i, h: (0, 0)),
        ],
        out_shape=[
            jax.ShapeDtypeStruct((B, S, D), _F32),
            jax.ShapeDtypeStruct((8, E), _F32),
        ],
        compiler_params=pltpu.CompilerParams(
            dimension_semantics=seq * 3),
    )(qkv, qkv, qkv, xb, w_out, out_proj_b.reshape(1, D), router)

    sc_mesh = plsc.ScalarSubcoreMesh(axis_name="core", num_cores=2)
    idx_p, gate_p = pl.kernel(
        _sc_router_body,
        out_type=[
            jax.ShapeDtypeStruct((2, 16), jnp.int32),
            jax.ShapeDtypeStruct((2, 16), _F32),
        ],
        mesh=sc_mesh,
        scratch_types=[
            pltpu.SMEM((8, E), _F32),
            pltpu.SMEM((2, 16), jnp.int32),
            pltpu.SMEM((2, 16), _F32),
            pltpu.SemaphoreType.DMA,
        ],
    )(logits)

    grid_spec = pltpu.PrefetchScalarGridSpec(
        num_scalar_prefetch=2,
        grid=(B, nS, K),
        in_specs=[
            pl.BlockSpec((1, BS, D), lambda b, i, k, ir, gr: (b, i, 0)),
            pl.BlockSpec((1, D), lambda b, i, k, ir, gr: (0, 0)),
            pl.BlockSpec((1, D), lambda b, i, k, ir, gr: (0, 0)),
            pl.BlockSpec((D, 4 * D), lambda b, i, k, ir, gr: (0, 0)),
            pl.BlockSpec((1, 4 * D), lambda b, i, k, ir, gr: (0, 0)),
            pl.BlockSpec((4 * D, D), lambda b, i, k, ir, gr: (0, 0)),
            pl.BlockSpec((1, D), lambda b, i, k, ir, gr: (0, 0)),
            pl.BlockSpec((1, D, FFN),
                         lambda b, i, k, ir, gr: (ir[b, k], 0, 0)),
            pl.BlockSpec((1, 1, FFN),
                         lambda b, i, k, ir, gr: (ir[b, k], 0, 0)),
            pl.BlockSpec((1, FFN, D),
                         lambda b, i, k, ir, gr: (ir[b, k], 0, 0)),
            pl.BlockSpec((1, 1, D),
                         lambda b, i, k, ir, gr: (ir[b, k], 0, 0)),
        ],
        out_specs=pl.BlockSpec(
            (1, BS, D), lambda b, i, k, ir, gr: (b, i, 0)),
    )
    out_b = pl.pallas_call(
        _mlp_moe_kernel,
        grid_spec=grid_spec,
        out_shape=jax.ShapeDtypeStruct((B, S, D), _F32),
        compiler_params=pltpu.CompilerParams(
            dimension_semantics=seq * 3),
    )(idx_p, gate_p, x1, ln2_w.reshape(1, D), ln2_b.reshape(1, D), w_fc,
      c_fc_b.reshape(1, 4 * D), w_pr, c_proj_b.reshape(1, D),
      down_w, db2, up_w, ub2)

    return jnp.transpose(out_b, (1, 0, 2))

# --- scband reference (transcript-rebuilt; emitter-appended) ---
"""Pipeline reference for scband-residual-attention-block-mo-a-15023795601992 (READ-ONLY COPY).

The authoritative reference and input builder live on the scoring server;
editing this copy changes nothing except your own understanding.
"""

import jax, jax.numpy as jnp
import numpy as np

D = 768; H = 12; E = 64; TOPK = 2; FFN = 64; S = 2048; B = 2; SCALE = 0.1


def layer_norm(x, w, b, eps=1e-5):
    x32 = x.astype(jnp.float32)
    m = x32.mean(-1, keepdims=True)
    v = ((x32 - m) ** 2).mean(-1, keepdims=True)
    return ((x32 - m) / jnp.sqrt(v + eps) * w + b).astype(x.dtype)


def quick_gelu(x):
    return x * jax.nn.sigmoid(1.702 * x)


def mha(x, in_w, in_b, out_w, out_b):
    Sx, Bx, d = x.shape
    hd = d // H
    qkv = x @ in_w.T + in_b
    q, k, v = jnp.split(qkv, 3, axis=-1)
    def rs(t):
        return t.reshape(Sx, Bx, H, hd).transpose(1, 2, 0, 3)
    q = rs(q); k = rs(k); v = rs(v)
    att = jnp.einsum('bhqd,bhkd->bhqk', q, k) / float(np.sqrt(hd))
    att = jax.nn.softmax(att, axis=-1)
    o = jnp.einsum('bhqk,bhkd->bhqd', att, v)
    o = o.transpose(2, 0, 1, 3).reshape(Sx, Bx, d)
    return o @ out_w.T + out_b


def setup_inputs(seed: int = 0) -> dict:
    key = jax.random.key(seed)
    ks = jax.random.split(key, 10)
    s = 0.02
    return {
        'x': jax.random.normal(ks[0], (S, B, D), dtype=jnp.float32),
        'in_proj_w': jax.random.normal(ks[1], (3 * D, D), dtype=jnp.float32) * s,
        'in_proj_b': jnp.zeros((3 * D,), jnp.float32),
        'out_proj_w': jax.random.normal(ks[2], (D, D), dtype=jnp.float32) * s,
        'out_proj_b': jnp.zeros((D,), jnp.float32),
        'ln1_w': jnp.ones((D,), jnp.float32),
        'ln1_b': jnp.zeros((D,), jnp.float32),
        'ln2_w': jnp.ones((D,), jnp.float32),
        'ln2_b': jnp.zeros((D,), jnp.float32),
        'c_fc_w': jax.random.normal(ks[3], (4 * D, D), dtype=jnp.float32) * s,
        'c_fc_b': jnp.zeros((4 * D,), jnp.float32),
        'c_proj_w': jax.random.normal(ks[4], (D, 4 * D), dtype=jnp.float32) * s,
        'c_proj_b': jnp.zeros((D,), jnp.float32),
        'router': jax.random.normal(ks[5], (D, E), dtype=jnp.float32) * s,
        'down_w': jax.random.normal(ks[6], (E, D, FFN), dtype=jnp.float32) * s,
        'down_b': jnp.zeros((E, FFN), jnp.float32),
        'up_w': jax.random.normal(ks[7], (E, FFN, D), dtype=jnp.float32) * s,
        'up_b': jnp.zeros((E, D), jnp.float32),
    }


def reference(x, in_proj_w, in_proj_b, out_proj_w, out_proj_b, ln1_w, ln1_b,
              ln2_w, ln2_b, c_fc_w, c_fc_b, c_proj_w, c_proj_b, router,
              down_w, down_b, up_w, up_b):
    # x: [S, B, D] (seq-first, as nn.MultiheadAttention expects)
    x = x + mha(layer_norm(x, ln1_w, ln1_b), in_proj_w, in_proj_b, out_proj_w, out_proj_b)
    # noisy_top_k_gating in eval mode: clean logits from CLS token of each example
    x_re = x.transpose(1, 0, 2)[:, 0, :]            # [B, D]
    logits = x_re @ router                           # [B, E]
    kk = min(TOPK + 1, E)
    top_logits, top_idx = jax.lax.top_k(logits, kk)
    top_k_logits = top_logits[:, :TOPK]
    top_k_idx = top_idx[:, :TOPK]                    # [B, k]
    gates = jax.nn.softmax(top_k_logits, axis=1)     # [B, k]
    # SparseDispatcher dispatch/combine == per-example gated sum over selected experts;
    # gather the selected adapters' parameters (expert-indexed gather).
    dw = jnp.take(down_w, top_k_idx, axis=0)         # [B, k, D, FFN]
    db = jnp.take(down_b, top_k_idx, axis=0)         # [B, k, FFN]
    uw = jnp.take(up_w, top_k_idx, axis=0)           # [B, k, FFN, D]
    ub = jnp.take(up_b, top_k_idx, axis=0)           # [B, k, D]
    xb = x.transpose(1, 0, 2)                        # [B, S, D]
    h = jnp.maximum(jnp.einsum('bsd,bkdf->bksf', xb, dw) + db[:, :, None, :], 0.0)
    up = (jnp.einsum('bksf,bkfd->bksd', h, uw) + ub[:, :, None, :]) * SCALE
    moe = jnp.einsum('bk,bksd->bsd', gates, up).transpose(1, 0, 2)  # [S, B, D]
    h2 = layer_norm(x, ln2_w, ln2_b)
    h2 = quick_gelu(h2 @ c_fc_w.T + c_fc_b) @ c_proj_w.T + c_proj_b
    x = x + h2
    x = x + moe
    return x

if __name__ == "__main__":
    import jax
    _d = setup_inputs()
    print(jax.jit(kernel)(*tuple(_d.values())))

</pallas_src>

<mosaic_0001>
#map = affine_map<(d0) -> (0, 0)>
module attributes {stable_mosaic.version = 14 : i64} {
  func.func @_sc_router_body(%arg0: i32, %arg1: memref<8x64xf32, #tpu.memory_space<hbm>>, %arg2: memref<2x16xi32, #tpu.memory_space<hbm>>, %arg3: memref<2x16xf32, #tpu.memory_space<hbm>>, %arg4: memref<8x64xf32, #tpu.memory_space<smem>>, %arg5: memref<2x16xi32, #tpu.memory_space<smem>>, %arg6: memref<2x16xf32, #tpu.memory_space<smem>>, %arg7: memref<!tpu.dma_semaphore, #tpu.memory_space<semaphore_mem>>) attributes {dimension_semantics = [#tpu.dimension_semantics<core_parallel>], iteration_bounds = array<i64: 2>, scalar_prefetch = 0 : i64, scratch_operands = 4 : i64, tpu.core_type = #tpu.core_type<sc_scalar_subcore>, window_params = [{transform_indices = #map}, {transform_indices = #map}, {transform_indices = #map}]} {
    %eq3A = arith.constant 0 : i32
    %eq3A_0 = arith.cmpi eq, %arg0, %eq3A : i32
    %convert_element_type3A = arith.extui %eq3A_0 : i1 to i32
    %cond3A = arith.constant 0 : i32
    %cond3A_1 = arith.cmpi ne, %convert_element_type3A, %cond3A : i32
    scf.if %cond3A_1 {
      tpu.enqueue_dma source(%arg1 : memref<8x64xf32, #tpu.memory_space<hbm>>) target(%arg4 : memref<8x64xf32, #tpu.memory_space<smem>>) target_semaphore(%arg7 : memref<!tpu.dma_semaphore, #tpu.memory_space<semaphore_mem>>)
      tpu.wait_dma2 semaphore(%arg7 : memref<!tpu.dma_semaphore, #tpu.memory_space<semaphore_mem>>) src(%arg1 : memref<8x64xf32, #tpu.memory_space<hbm>>) dst(%arg4 : memref<8x64xf32, #tpu.memory_space<smem>>)
      %get3A = arith.constant 0 : i32
      %get3A_2 = arith.constant 0 : i32
      %get3A_3 = arith.index_cast %get3A : i32 to index
      %get3A_4 = arith.index_cast %get3A_2 : i32 to index
      %get3A_5 = memref.load %arg4[%get3A_3, %get3A_4] : memref<8x64xf32, #tpu.memory_space<smem>>
      %swap3A = arith.constant 0 : i32
      %swap3A_6 = arith.constant 0 : i32
      %swap3A_7 = arith.index_cast %swap3A : i32 to index
      %swap3A_8 = arith.index_cast %swap3A_6 : i32 to index
      %swap3A_9 = memref.load %arg6[%swap3A_7, %swap3A_8] : memref<2x16xf32, #tpu.memory_space<smem>>
      memref.store %get3A_5, %arg6[%swap3A_7, %swap3A_8] : memref<2x16xf32, #tpu.memory_space<smem>>
      %swap3A_10 = arith.constant 0 : i32
      %swap3A_11 = arith.constant 0 : i32
      %swap3A_12 = arith.constant 0 : i32
      %swap3A_13 = arith.index_cast %swap3A_11 : i32 to index
      %swap3A_14 = arith.index_cast %swap3A_12 : i32 to index
      %swap3A_15 = memref.load %arg5[%swap3A_13, %swap3A_14] : memref<2x16xi32, #tpu.memory_space<smem>>
      memref.store %swap3A_10, %arg5[%swap3A_13, %swap3A_14] : memref<2x16xi32, #tpu.memory_space<smem>>
      %scan3A = arith.constant 0 : i32
      %scan3A_16 = arith.constant 63 : i32
      %scan3A_17 = arith.addi %scan3A, %scan3A_16 : i32
      %scan3A_18 = arith.constant 1 : i32
      scf.for %scan3A_75 = %scan3A to %scan3A_17 step %scan3A_18  : i32 {
        %mul3A = arith.constant 1 : i32
        %mul3A_76 = arith.muli %scan3A_75, %mul3A : i32
        %add3A = arith.constant 1 : i32
        %add3A_77 = arith.addi %add3A, %mul3A_76 : i32
        %get3A_78 = arith.constant 0 : i32
        %get3A_79 = arith.index_cast %get3A_78 : i32 to index
        %get3A_80 = arith.index_cast %add3A_77 : i32 to index
        %get3A_81 = memref.load %arg4[%get3A_79, %get3A_80] : memref<8x64xf32, #tpu.memory_space<smem>>
        %get3A_82 = arith.constant 0 : i32
        %get3A_83 = arith.constant 0 : i32
        %get3A_84 = arith.index_cast %get3A_82 : i32 to index
        %get3A_85 = arith.index_cast %get3A_83 : i32 to index
        %get3A_86 = memref.load %arg6[%get3A_84, %get3A_85] : memref<2x16xf32, #tpu.memory_space<smem>>
        %gt3A = arith.cmpf ogt, %get3A_81, %get3A_86 : f32
        %convert_element_type3A_87 = arith.extui %gt3A : i1 to i32
        %cond3A_88 = arith.constant 0 : i32
        %cond3A_89 = arith.cmpi ne, %convert_element_type3A_87, %cond3A_88 : i32
        scf.if %cond3A_89 {
          %swap3A_90 = arith.constant 0 : i32
          %swap3A_91 = arith.constant 0 : i32
          %swap3A_92 = arith.index_cast %swap3A_90 : i32 to index
          %swap3A_93 = arith.index_cast %swap3A_91 : i32 to index
          %swap3A_94 = memref.load %arg6[%swap3A_92, %swap3A_93] : memref<2x16xf32, #tpu.memory_space<smem>>
          memref.store %get3A_81, %arg6[%swap3A_92, %swap3A_93] : memref<2x16xf32, #tpu.memory_space<smem>>
          %swap3A_95 = arith.constant 0 : i32
          %swap3A_96 = arith.constant 0 : i32
          %swap3A_97 = arith.index_cast %swap3A_95 : i32 to index
          %swap3A_98 = arith.index_cast %swap3A_96 : i32 to index
          %swap3A_99 = memref.load %arg5[%swap3A_97, %swap3A_98] : memref<2x16xi32, #tpu.memory_space<smem>>
          memref.store %add3A_77, %arg5[%swap3A_97, %swap3A_98] : memref<2x16xi32, #tpu.memory_space<smem>>
        } else {
        }
      }
      %scan3A_19 = arith.constant 63 : i32
      %swap3A_20 = arith.constant -1.000000e+30 : f32
      %swap3A_21 = arith.constant 0 : i32
      %swap3A_22 = arith.constant 1 : i32
      %swap3A_23 = arith.index_cast %swap3A_21 : i32 to index
      %swap3A_24 = arith.index_cast %swap3A_22 : i32 to index
      %swap3A_25 = memref.load %arg6[%swap3A_23, %swap3A_24] : memref<2x16xf32, #tpu.memory_space<smem>>
      memref.store %swap3A_20, %arg6[%swap3A_23, %swap3A_24] : memref<2x16xf32, #tpu.memory_space<smem>>
      %swap3A_26 = arith.constant 0 : i32
      %swap3A_27 = arith.constant 0 : i32
      %swap3A_28 = arith.constant 1 : i32
      %swap3A_29 = arith.index_cast %swap3A_27 : i32 to index
      %swap3A_30 = arith.index_cast %swap3A_28 : i32 to index
      %swap3A_31 = memref.load %arg5[%swap3A_29, %swap3A_30] : memref<2x16xi32, #tpu.memory_space<smem>>
      memref.store %swap3A_26, %arg5[%swap3A_29, %swap3A_30] : memref<2x16xi32, #tpu.memory_space<smem>>
      %scan3A_32 = arith.constant 0 : i32
      %scan3A_33 = arith.constant 64 : i32
      %scan3A_34 = arith.addi %scan3A_32, %scan3A_33 : i32
      %scan3A_35 = arith.constant 1 : i32
      scf.for %scan3A_75 = %scan3A_32 to %scan3A_34 step %scan3A_35  : i32 {
        %mul3A = arith.constant 1 : i32
        %mul3A_76 = arith.muli %scan3A_75, %mul3A : i32
        %add3A = arith.constant 0 : i32
        %add3A_77 = arith.addi %add3A, %mul3A_76 : i32
        %get3A_78 = arith.constant 0 : i32
        %get3A_79 = arith.index_cast %get3A_78 : i32 to index
        %get3A_80 = arith.index_cast %add3A_77 : i32 to index
        %get3A_81 = memref.load %arg4[%get3A_79, %get3A_80] : memref<8x64xf32, #tpu.memory_space<smem>>
        %get3A_82 = arith.constant 0 : i32
        %get3A_83 = arith.constant 0 : i32
        %get3A_84 = arith.index_cast %get3A_82 : i32 to index
        %get3A_85 = arith.index_cast %get3A_83 : i32 to index
        %get3A_86 = memref.load %arg5[%get3A_84, %get3A_85] : memref<2x16xi32, #tpu.memory_space<smem>>
        %ne3A = arith.cmpi ne, %add3A_77, %get3A_86 : i32
        %get3A_87 = arith.constant 0 : i32
        %get3A_88 = arith.constant 1 : i32
        %get3A_89 = arith.index_cast %get3A_87 : i32 to index
        %get3A_90 = arith.index_cast %get3A_88 : i32 to index
        %get3A_91 = memref.load %arg6[%get3A_89, %get3A_90] : memref<2x16xf32, #tpu.memory_space<smem>>
        %gt3A = arith.cmpf ogt, %get3A_81, %get3A_91 : f32
        %and3A = arith.andi %ne3A, %gt3A : i1
        %convert_element_type3A_92 = arith.extui %and3A : i1 to i32
        %cond3A_93 = arith.constant 0 : i32
        %cond3A_94 = arith.cmpi ne, %convert_element_type3A_92, %cond3A_93 : i32
        scf.if %cond3A_94 {
          %swap3A_95 = arith.constant 0 : i32
          %swap3A_96 = arith.constant 1 : i32
          %swap3A_97 = arith.index_cast %swap3A_95 : i32 to index
          %swap3A_98 = arith.index_cast %swap3A_96 : i32 to index
          %swap3A_99 = memref.load %arg6[%swap3A_97, %swap3A_98] : memref<2x16xf32, #tpu.memory_space<smem>>
          memref.store %get3A_81, %arg6[%swap3A_97, %swap3A_98] : memref<2x16xf32, #tpu.memory_space<smem>>
          %swap3A_100 = arith.constant 0 : i32
          %swap3A_101 = arith.constant 1 : i32
          %swap3A_102 = arith.index_cast %swap3A_100 : i32 to index
          %swap3A_103 = arith.index_cast %swap3A_101 : i32 to index
          %swap3A_104 = memref.load %arg5[%swap3A_102, %swap3A_103] : memref<2x16xi32, #tpu.memory_space<smem>>
          memref.store %add3A_77, %arg5[%swap3A_102, %swap3A_103] : memref<2x16xi32, #tpu.memory_space<smem>>
        } else {
        }
      }
      %scan3A_36 = arith.constant 64 : i32
      %get3A_37 = arith.constant 1 : i32
      %get3A_38 = arith.constant 0 : i32
      %get3A_39 = arith.index_cast %get3A_37 : i32 to index
      %get3A_40 = arith.index_cast %get3A_38 : i32 to index
      %get3A_41 = memref.load %arg4[%get3A_39, %get3A_40] : memref<8x64xf32, #tpu.memory_space<smem>>
      %swap3A_42 = arith.constant 1 : i32
      %swap3A_43 = arith.constant 0 : i32
      %swap3A_44 = arith.index_cast %swap3A_42 : i32 to index
      %swap3A_45 = arith.index_cast %swap3A_43 : i32 to index
      %swap3A_46 = memref.load %arg6[%swap3A_44, %swap3A_45] : memref<2x16xf32, #tpu.memory_space<smem>>
      memref.store %get3A_41, %arg6[%swap3A_44, %swap3A_45] : memref<2x16xf32, #tpu.memory_space<smem>>
      %swap3A_47 = arith.constant 0 : i32
      %swap3A_48 = arith.constant 1 : i32
      %swap3A_49 = arith.constant 0 : i32
      %swap3A_50 = arith.index_cast %swap3A_48 : i32 to index
      %swap3A_51 = arith.index_cast %swap3A_49 : i32 to index
      %swap3A_52 = memref.load %arg5[%swap3A_50, %swap3A_51] : memref<2x16xi32, #tpu.memory_space<smem>>
      memref.store %swap3A_47, %arg5[%swap3A_50, %swap3A_51] : memref<2x16xi32, #tpu.memory_space<smem>>
      %scan3A_53 = arith.constant 0 : i32
      %scan3A_54 = arith.constant 63 : i32
      %scan3A_55 = arith.addi %scan3A_53, %scan3A_54 : i32
      %scan3A_56 = arith.constant 1 : i32
      scf.for %scan3A_75 = %scan3A_53 to %scan3A_55 step %scan3A_56  : i32 {
        %mul3A = arith.constant 1 : i32
        %mul3A_76 = arith.muli %scan3A_75, %mul3A : i32
        %add3A = arith.constant 1 : i32
        %add3A_77 = arith.addi %add3A, %mul3A_76 : i32
        %get3A_78 = arith.constant 1 : i32
        %get3A_79 = arith.index_cast %get3A_78 : i32 to index
        %get3A_80 = arith.index_cast %add3A_77 : i32 to index
        %get3A_81 = memref.load %arg4[%get3A_79, %get3A_80] : memref<8x64xf32, #tpu.memory_space<smem>>
        %get3A_82 = arith.constant 1 : i32
        %get3A_83 = arith.constant 0 : i32
        %get3A_84 = arith.index_cast %get3A_82 : i32 to index
        %get3A_85 = arith.index_cast %get3A_83 : i32 to index
        %get3A_86 = memref.load %arg6[%get3A_84, %get3A_85] : memref<2x16xf32, #tpu.memory_space<smem>>
        %gt3A = arith.cmpf ogt, %get3A_81, %get3A_86 : f32
        %convert_element_type3A_87 = arith.extui %gt3A : i1 to i32
        %cond3A_88 = arith.constant 0 : i32
        %cond3A_89 = arith.cmpi ne, %convert_element_type3A_87, %cond3A_88 : i32
        scf.if %cond3A_89 {
          %swap3A_90 = arith.constant 1 : i32
          %swap3A_91 = arith.constant 0 : i32
          %swap3A_92 = arith.index_cast %swap3A_90 : i32 to index
          %swap3A_93 = arith.index_cast %swap3A_91 : i32 to index
          %swap3A_94 = memref.load %arg6[%swap3A_92, %swap3A_93] : memref<2x16xf32, #tpu.memory_space<smem>>
          memref.store %get3A_81, %arg6[%swap3A_92, %swap3A_93] : memref<2x16xf32, #tpu.memory_space<smem>>
          %swap3A_95 = arith.constant 1 : i32
          %swap3A_96 = arith.constant 0 : i32
          %swap3A_97 = arith.index_cast %swap3A_95 : i32 to index
          %swap3A_98 = arith.index_cast %swap3A_96 : i32 to index
          %swap3A_99 = memref.load %arg5[%swap3A_97, %swap3A_98] : memref<2x16xi32, #tpu.memory_space<smem>>
          memref.store %add3A_77, %arg5[%swap3A_97, %swap3A_98] : memref<2x16xi32, #tpu.memory_space<smem>>
        } else {
        }
      }
      %scan3A_57 = arith.constant 63 : i32
      %swap3A_58 = arith.constant -1.000000e+30 : f32
      %swap3A_59 = arith.constant 1 : i32
      %swap3A_60 = arith.constant 1 : i32
      %swap3A_61 = arith.index_cast %swap3A_59 : i32 to index
      %swap3A_62 = arith.index_cast %swap3A_60 : i32 to index
      %swap3A_63 = memref.load %arg6[%swap3A_61, %swap3A_62] : memref<2x16xf32, #tpu.memory_space<smem>>
      memref.store %swap3A_58, %arg6[%swap3A_61, %swap3A_62] : memref<2x16xf32, #tpu.memory_space<smem>>
      %swap3A_64 = arith.constant 0 : i32
      %swap3A_65 = arith.constant 1 : i32
      %swap3A_66 = arith.constant 1 : i32
      %swap3A_67 = arith.index_cast %swap3A_65 : i32 to index
      %swap3A_68 = arith.index_cast %swap3A_66 : i32 to index
      %swap3A_69 = memref.load %arg5[%swap3A_67, %swap3A_68] : memref<2x16xi32, #tpu.memory_space<smem>>
      memref.store %swap3A_64, %arg5[%swap3A_67, %swap3A_68] : memref<2x16xi32, #tpu.memory_space<smem>>
      %scan3A_70 = arith.constant 0 : i32
      %scan3A_71 = arith.constant 64 : i32
      %scan3A_72 = arith.addi %scan3A_70, %scan3A_71 : i32
      %scan3A_73 = arith.constant 1 : i32
      scf.for %scan3A_75 = %scan3A_70 to %scan3A_72 step %scan3A_73  : i32 {
        %mul3A = arith.constant 1 : i32
        %mul3A_76 = arith.muli %scan3A_75, %mul3A : i32
        %add3A = arith.constant 0 : i32
        %add3A_77 = arith.addi %add3A, %mul3A_76 : i32
        %get3A_78 = arith.constant 1 : i32
        %get3A_79 = arith.index_cast %get3A_78 : i32 to index
        %get3A_80 = arith.index_cast %add3A_77 : i32 to index
        %get3A_81 = memref.load %arg4[%get3A_79, %get3A_80] : memref<8x64xf32, #tpu.memory_space<smem>>
        %get3A_82 = arith.constant 1 : i32
        %get3A_83 = arith.constant 0 : i32
        %get3A_84 = arith.index_cast %get3A_82 : i32 to index
        %get3A_85 = arith.index_cast %get3A_83 : i32 to index
        %get3A_86 = memref.load %arg5[%get3A_84, %get3A_85] : memref<2x16xi32, #tpu.memory_space<smem>>
        %ne3A = arith.cmpi ne, %add3A_77, %get3A_86 : i32
        %get3A_87 = arith.constant 1 : i32
        %get3A_88 = arith.constant 1 : i32
        %get3A_89 = arith.index_cast %get3A_87 : i32 to index
        %get3A_90 = arith.index_cast %get3A_88 : i32 to index
        %get3A_91 = memref.load %arg6[%get3A_89, %get3A_90] : memref<2x16xf32, #tpu.memory_space<smem>>
        %gt3A = arith.cmpf ogt, %get3A_81, %get3A_91 : f32
        %and3A = arith.andi %ne3A, %gt3A : i1
        %convert_element_type3A_92 = arith.extui %and3A : i1 to i32
        %cond3A_93 = arith.constant 0 : i32
        %cond3A_94 = arith.cmpi ne, %convert_element_type3A_92, %cond3A_93 : i32
        scf.if %cond3A_94 {
          %swap3A_95 = arith.constant 1 : i32
          %swap3A_96 = arith.constant 1 : i32
          %swap3A_97 = arith.index_cast %swap3A_95 : i32 to index
          %swap3A_98 = arith.index_cast %swap3A_96 : i32 to index
          %swap3A_99 = memref.load %arg6[%swap3A_97, %swap3A_98] : memref<2x16xf32, #tpu.memory_space<smem>>
          memref.store %get3A_81, %arg6[%swap3A_97, %swap3A_98] : memref<2x16xf32, #tpu.memory_space<smem>>
          %swap3A_100 = arith.constant 1 : i32
          %swap3A_101 = arith.constant 1 : i32
          %swap3A_102 = arith.index_cast %swap3A_100 : i32 to index
          %swap3A_103 = arith.index_cast %swap3A_101 : i32 to index
          %swap3A_104 = memref.load %arg5[%swap3A_102, %swap3A_103] : memref<2x16xi32, #tpu.memory_space<smem>>
          memref.store %add3A_77, %arg5[%swap3A_102, %swap3A_103] : memref<2x16xi32, #tpu.memory_space<smem>>
        } else {
        }
      }
      %scan3A_74 = arith.constant 64 : i32
      tpu.enqueue_dma source(%arg5 : memref<2x16xi32, #tpu.memory_space<smem>>) target(%arg2 : memref<2x16xi32, #tpu.memory_space<hbm>>) target_semaphore(%arg7 : memref<!tpu.dma_semaphore, #tpu.memory_space<semaphore_mem>>)
      tpu.wait_dma2 semaphore(%arg7 : memref<!tpu.dma_semaphore, #tpu.memory_space<semaphore_mem>>) src(%arg5 : memref<2x16xi32, #tpu.memory_space<smem>>) dst(%arg2 : memref<2x16xi32, #tpu.memory_space<hbm>>)
      tpu.enqueue_dma source(%arg6 : memref<2x16xf32, #tpu.memory_space<smem>>) target(%arg3 : memref<2x16xf32, #tpu.memory_space<hbm>>) target_semaphore(%arg7 : memref<!tpu.dma_semaphore, #tpu.memory_space<semaphore_mem>>)
      tpu.wait_dma2 semaphore(%arg7 : memref<!tpu.dma_semaphore, #tpu.memory_space<semaphore_mem>>) src(%arg6 : memref<2x16xf32, #tpu.memory_space<smem>>) dst(%arg3 : memref<2x16xf32, #tpu.memory_space<hbm>>)
    } else {
    }
    return
  }
}

module attributes {stable_mosaic.version = 14 : i64} {
  func.func @_ln_qkv_kernel(%arg0: i32, %arg1: i32, %arg2: memref<1x512x768xf32, #tpu.memory_space<vmem>>, %arg3: memref<1x768xf32, #tpu.memory_space<vmem>>, %arg4: memref<1x768xf32, #tpu.memory_space<vmem>>, %arg5: memref<768x2304xbf16, #tpu.memory_space<vmem>>, %arg6: memref<1x2304xf32, #tpu.memory_space<vmem>>, %arg7: memref<1x512x2304xbf16, #tpu.memory_space<vmem>>) attributes {dimension_semantics = [#tpu.dimension_semantics<arbitrary>, #tpu.dimension_semantics<arbitrary>], iteration_bounds = array<i64: 2, 4>, scalar_prefetch = 0 : i64, scratch_operands = 0 : i64, tpu.core_type = #tpu.core_type<tc>, window_params = [{transform_indices = @transform_0, window_bounds = array<i64: 1, 512, 768>}, {pipeline_mode = #tpu.pipeline_mode<synchronous>, transform_indices = @transform_1, window_bounds = array<i64: 1, 768>}, {pipeline_mode = #tpu.pipeline_mode<synchronous>, transform_indices = @transform_2, window_bounds = array<i64: 1, 768>}, {pipeline_mode = #tpu.pipeline_mode<synchronous>, transform_indices = @transform_3, window_bounds = array<i64: 768, 2304>}, {pipeline_mode = #tpu.pipeline_mode<synchronous>, transform_indices = @transform_4, window_bounds = array<i64: 1, 2304>}, {transform_indices = @transform_5, window_bounds = array<i64: 1, 512, 2304>}]} {
    %get3A = arith.constant 0 : index
    %get3A_0 = arith.constant 0 : index
    %get3A_1 = arith.constant 0 : index
    %get3A_2 = vector.load %arg2[%get3A, %get3A_0, %get3A_1] : memref<1x512x768xf32, #tpu.memory_space<vmem>>, vector<1x512x768xf32>
    %get3A_3 = vector.shape_cast %get3A_2 : vector<1x512x768xf32> to vector<512x768xf32>
    %reduce_sum3A = arith.constant dense<0.000000e+00> : vector<512xf32>
    %reduce_sum3A_4 = vector.multi_reduction <add>, %get3A_3, %reduce_sum3A [1] : vector<512x768xf32> to vector<512xf32>
    %broadcast_in_dim3A = vector.shape_cast %reduce_sum3A_4 : vector<512xf32> to vector<512x1xf32>
    %div3A = arith.constant 7.680000e+02 : f32
    %div3A_5 = vector.broadcast %div3A : f32 to vector<512x1xf32>
    %div3A_6 = arith.divf %broadcast_in_dim3A, %div3A_5 : vector<512x1xf32>
    %sub3A = vector.broadcast %div3A_6 : vector<512x1xf32> to vector<512x768xf32>
    %sub3A_7 = arith.subf %get3A_3, %sub3A : vector<512x768xf32>
    %integer_pow3A = arith.mulf %sub3A_7, %sub3A_7 : vector<512x768xf32>
    %reduce_sum3A_8 = arith.constant dense<0.000000e+00> : vector<512xf32>
    %reduce_sum3A_9 = vector.multi_reduction <add>, %integer_pow3A, %reduce_sum3A_8 [1] : vector<512x768xf32> to vector<512xf32>
    %broadcast_in_dim3A_10 = vector.shape_cast %reduce_sum3A_9 : vector<512xf32> to vector<512x1xf32>
    %div3A_11 = arith.constant 7.680000e+02 : f32
    %div3A_12 = vector.broadcast %div3A_11 : f32 to vector<512x1xf32>
    %div3A_13 = arith.divf %broadcast_in_dim3A_10, %div3A_12 : vector<512x1xf32>
    %sub3A_14 = vector.broadcast %div3A_6 : vector<512x1xf32> to vector<512x768xf32>
    %sub3A_15 = arith.subf %get3A_3, %sub3A_14 : vector<512x768xf32>
    %add3A = arith.constant 9.99999974E-6 : f32
    %add3A_16 = vector.broadcast %add3A : f32 to vector<512x1xf32>
    %add3A_17 = arith.addf %div3A_13, %add3A_16 : vector<512x1xf32>
    %sqrt3A = math.sqrt %add3A_17 : vector<512x1xf32>
    %div3A_18 = vector.broadcast %sqrt3A : vector<512x1xf32> to vector<512x768xf32>
    %div3A_19 = arith.divf %sub3A_15, %div3A_18 : vector<512x768xf32>
    %get3A_20 = arith.constant 0 : index
    %get3A_21 = arith.constant 0 : index
    %get3A_22 = vector.load %arg3[%get3A_20, %get3A_21] : memref<1x768xf32, #tpu.memory_space<vmem>>, vector<1x768xf32>
    %mul3A = vector.broadcast %get3A_22 : vector<1x768xf32> to vector<512x768xf32>
    %mul3A_23 = arith.mulf %div3A_19, %mul3A : vector<512x768xf32>
    %get3A_24 = arith.constant 0 : index
    %get3A_25 = arith.constant 0 : index
    %get3A_26 = vector.load %arg4[%get3A_24, %get3A_25] : memref<1x768xf32, #tpu.memory_space<vmem>>, vector<1x768xf32>
    %add3A_27 = vector.broadcast %get3A_26 : vector<1x768xf32> to vector<512x768xf32>
    %add3A_28 = arith.addf %mul3A_23, %add3A_27 : vector<512x768xf32>
    %convert_element_type3A = arith.truncf %add3A_28 : vector<512x768xf32> to vector<512x768xbf16>
    %get3A_29 = arith.constant 0 : index
    %get3A_30 = arith.constant 0 : index
    %get3A_31 = vector.load %arg5[%get3A_29, %get3A_30] : memref<768x2304xbf16, #tpu.memory_space<vmem>>, vector<768x2304xbf16>
    %dot_general3A = arith.constant dense<0.000000e+00> : vector<512x2304xf32>
    %dot_general3A_32 = tpu.matmul %convert_element_type3A, %get3A_31, %dot_general3A {dimension_numbers = #tpu.dot_dimension_numbers<[1], [0], [0], [1], [0, 0, 1, 1], [], []>, transpose_lhs_hint = false} : vector<512x768xbf16>, vector<768x2304xbf16>, vector<512x2304xf32> -> vector<512x2304xf32>
    %get3A_33 = arith.constant 0 : index
    %get3A_34 = arith.constant 0 : index
    %get3A_35 = vector.load %arg6[%get3A_33, %get3A_34] : memref<1x2304xf32, #tpu.memory_space<vmem>>, vector<1x2304xf32>
    %add3A_36 = vector.broadcast %get3A_35 : vector<1x2304xf32> to vector<512x2304xf32>
    %add3A_37 = arith.addf %dot_general3A_32, %add3A_36 : vector<512x2304xf32>
    %convert_element_type3A_38 = arith.truncf %add3A_37 : vector<512x2304xf32> to vector<512x2304xbf16>
    %swap3A = arith.constant 0 : index
    %swap3A_39 = arith.constant 0 : index
    %swap3A_40 = arith.constant 0 : index
    %swap3A_41 = vector.load %arg7[%swap3A, %swap3A_39, %swap3A_40] : memref<1x512x2304xbf16, #tpu.memory_space<vmem>>, vector<1x512x2304xbf16>
    %swap3A_42 = vector.shape_cast %swap3A_41 : vector<1x512x2304xbf16> to vector<512x2304xbf16>
    %swap3A_43 = vector.shape_cast %convert_element_type3A_38 : vector<512x2304xbf16> to vector<1x512x2304xbf16>
    tpu.vector_store %arg7[%swap3A, %swap3A_39, %swap3A_40], %swap3A_43 {strides = array<i32>} : memref<1x512x2304xbf16, #tpu.memory_space<vmem>>, vector<1x512x2304xbf16>,
    return
  }
  func.func @transform_0(%arg0: i32, %arg1: i32) -> (i32, i32, i32) {
    %c0_i32 = arith.constant 0 : i32
    %c0_i32_0 = arith.constant 0 : i32
    return %arg0, %arg1, %c0_i32 : i32, i32, i32
  }
  func.func @transform_1(%arg0: i32, %arg1: i32) -> (i32, i32) {
    %c0_i32 = arith.constant 0 : i32
    %c0_i32_0 = arith.constant 0 : i32
    %c0_i32_1 = arith.constant 0 : i32
    return %c0_i32, %c0_i32_0 : i32, i32
  }
  func.func @transform_2(%arg0: i32, %arg1: i32) -> (i32, i32) {
    %c0_i32 = arith.constant 0 : i32
    %c0_i32_0 = arith.constant 0 : i32
    %c0_i32_1 = arith.constant 0 : i32
    return %c0_i32, %c0_i32_0 : i32, i32
  }
  func.func @transform_3(%arg0: i32, %arg1: i32) -> (i32, i32) {
    %c0_i32 = arith.constant 0 : i32
    %c0_i32_0 = arith.constant 0 : i32
    %c0_i32_1 = arith.constant 0 : i32
    return %c0_i32, %c0_i32_0 : i32, i32
  }
  func.func @transform_4(%arg0: i32, %arg1: i32) -> (i32, i32) {
    %c0_i32 = arith.constant 0 : i32
    %c0_i32_0 = arith.constant 0 : i32
    %c0_i32_1 = arith.constant 0 : i32
    return %c0_i32, %c0_i32_0 : i32, i32
  }
  func.func @transform_5(%arg0: i32, %arg1: i32) -> (i32, i32, i32) {
    %c0_i32 = arith.constant 0 : i32
    %c0_i32_0 = arith.constant 0 : i32
    return %arg0, %arg1, %c0_i32 : i32, i32, i32
  }
}

module attributes {stable_mosaic.version = 14 : i64} {
  func.func @_attn_kernel(%arg0: i32, %arg1: i32, %arg2: i32, %arg3: memref<1x2048x128xbf16, #tpu.memory_space<vmem>>, %arg4: memref<1x2048x128xbf16, #tpu.memory_space<vmem>>, %arg5: memref<1x2048x128xbf16, #tpu.memory_space<vmem>>, %arg6: memref<1x2048x768xf32, #tpu.memory_space<vmem>>, %arg7: memref<128x768xbf16, #tpu.memory_space<vmem>>, %arg8: memref<1x768xf32, #tpu.memory_space<vmem>>, %arg9: memref<768x64xf32, #tpu.memory_space<vmem>>, %arg10: memref<1x2048x768xf32, #tpu.memory_space<vmem>>, %arg11: memref<8x64xf32, #tpu.memory_space<vmem>>) attributes {dimension_semantics = [#tpu.dimension_semantics<arbitrary>, #tpu.dimension_semantics<arbitrary>, #tpu.dimension_semantics<arbitrary>], iteration_bounds = array<i64: 2, 1, 6>, scalar_prefetch = 0 : i64, scratch_operands = 0 : i64, tpu.core_type = #tpu.core_type<tc>, window_params = [{transform_indices = @transform_0, window_bounds = array<i64: 1, 2048, 128>}, {transform_indices = @transform_1, window_bounds = array<i64: 1, 2048, 128>}, {transform_indices = @transform_2, window_bounds = array<i64: 1, 2048, 128>}, {transform_indices = @transform_3, window_bounds = array<i64: 1, 2048, 768>}, {transform_indices = @transform_4, window_bounds = array<i64: 128, 768>}, {pipeline_mode = #tpu.pipeline_mode<synchronous>, transform_indices = @transform_5, window_bounds = array<i64: 1, 768>}, {pipeline_mode = #tpu.pipeline_mode<synchronous>, transform_indices = @transform_6, window_bounds = array<i64: 768, 64>}, {transform_indices = @transform_7, window_bounds = array<i64: 1, 2048, 768>}, {pipeline_mode = #tpu.pipeline_mode<synchronous>, transform_indices = @transform_8, window_bounds = array<i64: 8, 64>}]} {
    %get3A = arith.constant 0 : index
    %get3A_0 = arith.constant 0 : index
    %get3A_1 = arith.constant 0 : index
    %get3A_2 = vector.load %arg3[%get3A, %get3A_0, %get3A_1] : memref<1x2048x128xbf16, #tpu.memory_space<vmem>>, vector<1x2048x128xbf16>
    %get3A_3 = vector.shape_cast %get3A_2 : vector<1x2048x128xbf16> to vector<2048x128xbf16>
    %get3A_4 = arith.constant 0 : index
    %get3A_5 = arith.constant 0 : index
    %get3A_6 = arith.constant 0 : index
    %get3A_7 = vector.load %arg4[%get3A_4, %get3A_5, %get3A_6] : memref<1x2048x128xbf16, #tpu.memory_space<vmem>>, vector<1x2048x128xbf16>
    %get3A_8 = vector.shape_cast %get3A_7 : vector<1x2048x128xbf16> to vector<2048x128xbf16>
    %get3A_9 = arith.constant 0 : index
    %get3A_10 = arith.constant 0 : index
    %get3A_11 = arith.constant 0 : index
    %get3A_12 = vector.load %arg5[%get3A_9, %get3A_10, %get3A_11] : memref<1x2048x128xbf16, #tpu.memory_space<vmem>>, vector<1x2048x128xbf16>
    %get3A_13 = vector.shape_cast %get3A_12 : vector<1x2048x128xbf16> to vector<2048x128xbf16>
    %slice3A = vector.extract_strided_slice %get3A_3 {offsets = [0, 0], sizes = [2048, 64], strides = [1, 1]} : vector<2048x128xbf16> to vector<2048x64xbf16>
    %slice3A_14 = vector.extract_strided_slice %get3A_8 {offsets = [0, 0], sizes = [256, 64], strides = [1, 1]} : vector<2048x128xbf16> to vector<256x64xbf16>
    %slice3A_15 = vector.extract_strided_slice %get3A_13 {offsets = [0, 0], sizes = [256, 64], strides = [1, 1]} : vector<2048x128xbf16> to vector<256x64xbf16>
    %dot_general3A = arith.constant dense<0.000000e+00> : vector<2048x256xf32>
    %dot_general3A_16 = tpu.matmul %slice3A, %slice3A_14, %dot_general3A {dimension_numbers = #tpu.dot_dimension_numbers<[1], [1], [0], [0], [0, 0, 1, 0], [], []>, transpose_lhs_hint = false} : vector<2048x64xbf16>, vector<256x64xbf16>, vector<2048x256xf32> -> vector<2048x256xf32>
    %exp3A = math.exp %dot_general3A_16 : vector<2048x256xf32>
    %reduce_sum3A = arith.constant dense<0.000000e+00> : vector<2048xf32>
    %reduce_sum3A_17 = vector.multi_reduction <add>, %exp3A, %reduce_sum3A [1] : vector<2048x256xf32> to vector<2048xf32>
    %broadcast_in_dim3A = vector.shape_cast %reduce_sum3A_17 : vector<2048xf32> to vector<2048x1xf32>
    %convert_element_type3A = arith.truncf %exp3A : vector<2048x256xf32> to vector<2048x256xbf16>
    %dot_general3A_18 = arith.constant dense<0.000000e+00> : vector<2048x64xf32>
    %dot_general3A_19 = tpu.matmul %convert_element_type3A, %slice3A_15, %dot_general3A_18 {dimension_numbers = #tpu.dot_dimension_numbers<[1], [0], [0], [1], [0, 0, 1, 1], [], []>, transpose_lhs_hint = false} : vector<2048x256xbf16>, vector<256x64xbf16>, vector<2048x64xf32> -> vector<2048x64xf32>
    %slice3A_20 = vector.extract_strided_slice %get3A_8 {offsets = [256, 0], sizes = [256, 64], strides = [1, 1]} : vector<2048x128xbf16> to vector<256x64xbf16>
    %slice3A_21 = vector.extract_strided_slice %get3A_13 {offsets = [256, 0], sizes = [256, 64], strides = [1, 1]} : vector<2048x128xbf16> to vector<256x64xbf16>
    %dot_general3A_22 = arith.constant dense<0.000000e+00> : vector<2048x256xf32>
    %dot_general3A_23 = tpu.matmul %slice3A, %slice3A_20, %dot_general3A_22 {dimension_numbers = #tpu.dot_dimension_numbers<[1], [1], [0], [0], [0, 0, 1, 0], [], []>, transpose_lhs_hint = false} : vector<2048x64xbf16>, vector<256x64xbf16>, vector<2048x256xf32> -> vector<2048x256xf32>
    %exp3A_24 = math.exp %dot_general3A_23 : vector<2048x256xf32>
    %reduce_sum3A_25 = arith.constant dense<0.000000e+00> : vector<2048xf32>
    %reduce_sum3A_26 = vector.multi_reduction <add>, %exp3A_24, %reduce_sum3A_25 [1] : vector<2048x256xf32> to vector<2048xf32>
    %broadcast_in_dim3A_27 = vector.shape_cast %reduce_sum3A_26 : vector<2048xf32> to vector<2048x1xf32>
    %convert_element_type3A_28 = arith.truncf %exp3A_24 : vector<2048x256xf32> to vector<2048x256xbf16>
    %dot_general3A_29 = arith.constant dense<0.000000e+00> : vector<2048x64xf32>
    %dot_general3A_30 = tpu.matmul %convert_element_type3A_28, %slice3A_21, %dot_general3A_29 {dimension_numbers = #tpu.dot_dimension_numbers<[1], [0], [0], [1], [0, 0, 1, 1], [], []>, transpose_lhs_hint = false} : vector<2048x256xbf16>, vector<256x64xbf16>, vector<2048x64xf32> -> vector<2048x64xf32>
    %add3A = arith.addf %dot_general3A_19, %dot_general3A_30 : vector<2048x64xf32>
    %add3A_31 = arith.addf %broadcast_in_dim3A, %broadcast_in_dim3A_27 : vector<2048x1xf32>
    %slice3A_32 = vector.extract_strided_slice %get3A_8 {offsets = [512, 0], sizes = [256, 64], strides = [1, 1]} : vector<2048x128xbf16> to vector<256x64xbf16>
    %slice3A_33 = vector.extract_strided_slice %get3A_13 {offsets = [512, 0], sizes = [256, 64], strides = [1, 1]} : vector<2048x128xbf16> to vector<256x64xbf16>
    %dot_general3A_34 = arith.constant dense<0.000000e+00> : vector<2048x256xf32>
    %dot_general3A_35 = tpu.matmul %slice3A, %slice3A_32, %dot_general3A_34 {dimension_numbers = #tpu.dot_dimension_numbers<[1], [1], [0], [0], [0, 0, 1, 0], [], []>, transpose_lhs_hint = false} : vector<2048x64xbf16>, vector<256x64xbf16>, vector<2048x256xf32> -> vector<2048x256xf32>
    %exp3A_36 = math.exp %dot_general3A_35 : vector<2048x256xf32>
    %reduce_sum3A_37 = arith.constant dense<0.000000e+00> : vector<2048xf32>
    %reduce_sum3A_38 = vector.multi_reduction <add>, %exp3A_36, %reduce_sum3A_37 [1] : vector<2048x256xf32> to vector<2048xf32>
    %broadcast_in_dim3A_39 = vector.shape_cast %reduce_sum3A_38 : vector<2048xf32> to vector<2048x1xf32>
    %convert_element_type3A_40 = arith.truncf %exp3A_36 : vector<2048x256xf32> to vector<2048x256xbf16>
    %dot_general3A_41 = arith.constant dense<0.000000e+00> : vector<2048x64xf32>
    %dot_general3A_42 = tpu.matmul %convert_element_type3A_40, %slice3A_33, %dot_general3A_41 {dimension_numbers = #tpu.dot_dimension_numbers<[1], [0], [0], [1], [0, 0, 1, 1], [], []>, transpose_lhs_hint = false} : vector<2048x256xbf16>, vector<256x64xbf16>, vector<2048x64xf32> -> vector<2048x64xf32>
    %add3A_43 = arith.addf %add3A, %dot_general3A_42 : vector<2048x64xf32>
    %add3A_44 = arith.addf %add3A_31, %broadcast_in_dim3A_39 : vector<2048x1xf32>
    %slice3A_45 = vector.extract_strided_slice %get3A_8 {offsets = [768, 0], sizes = [256, 64], strides = [1, 1]} : vector<2048x128xbf16> to vector<256x64xbf16>
    %slice3A_46 = vector.extract_strided_slice %get3A_13 {offsets = [768, 0], sizes = [256, 64], strides = [1, 1]} : vector<2048x128xbf16> to vector<256x64xbf16>
    %dot_general3A_47 = arith.constant dense<0.000000e+00> : vector<2048x256xf32>
    %dot_general3A_48 = tpu.matmul %slice3A, %slice3A_45, %dot_general3A_47 {dimension_numbers = #tpu.dot_dimension_numbers<[1], [1], [0], [0], [0, 0, 1, 0], [], []>, transpose_lhs_hint = false} : vector<2048x64xbf16>, vector<256x64xbf16>, vector<2048x256xf32> -> vector<2048x256xf32>
    %exp3A_49 = math.exp %dot_general3A_48 : vector<2048x256xf32>
    %reduce_sum3A_50 = arith.constant dense<0.000000e+00> : vector<2048xf32>
    %reduce_sum3A_51 = vector.multi_reduction <add>, %exp3A_49, %reduce_sum3A_50 [1] : vector<2048x256xf32> to vector<2048xf32>
    %broadcast_in_dim3A_52 = vector.shape_cast %reduce_sum3A_51 : vector<2048xf32> to vector<2048x1xf32>
    %convert_element_type3A_53 = arith.truncf %exp3A_49 : vector<2048x256xf32> to vector<2048x256xbf16>
    %dot_general3A_54 = arith.constant dense<0.000000e+00> : vector<2048x64xf32>
    %dot_general3A_55 = tpu.matmul %convert_element_type3A_53, %slice3A_46, %dot_general3A_54 {dimension_numbers = #tpu.dot_dimension_numbers<[1], [0], [0], [1], [0, 0, 1, 1], [], []>, transpose_lhs_hint = false} : vector<2048x256xbf16>, vector<256x64xbf16>, vector<2048x64xf32> -> vector<2048x64xf32>
    %add3A_56 = arith.addf %add3A_43, %dot_general3A_55 : vector<2048x64xf32>
    %add3A_57 = arith.addf %add3A_44, %broadcast_in_dim3A_52 : vector<2048x1xf32>
    %slice3A_58 = vector.extract_strided_slice %get3A_8 {offsets = [1024, 0], sizes = [256, 64], strides = [1, 1]} : vector<2048x128xbf16> to vector<256x64xbf16>
    %slice3A_59 = vector.extract_strided_slice %get3A_13 {offsets = [1024, 0], sizes = [256, 64], strides = [1, 1]} : vector<2048x128xbf16> to vector<256x64xbf16>
    %dot_general3A_60 = arith.constant dense<0.000000e+00> : vector<2048x256xf32>
    %dot_general3A_61 = tpu.matmul %slice3A, %slice3A_58, %dot_general3A_60 {dimension_numbers = #tpu.dot_dimension_numbers<[1], [1], [0], [0], [0, 0, 1, 0], [], []>, transpose_lhs_hint = false} : vector<2048x64xbf16>, vector<256x64xbf16>, vector<2048x256xf32> -> vector<2048x256xf32>
    %exp3A_62 = math.exp %dot_general3A_61 : vector<2048x256xf32>
    %reduce_sum3A_63 = arith.constant dense<0.000000e+00> : vector<2048xf32>
    %reduce_sum3A_64 = vector.multi_reduction <add>, %exp3A_62, %reduce_sum3A_63 [1] : vector<2048x256xf32> to vector<2048xf32>
    %broadcast_in_dim3A_65 = vector.shape_cast %reduce_sum3A_64 : vector<2048xf32> to vector<2048x1xf32>
    %convert_element_type3A_66 = arith.truncf %exp3A_62 : vector<2048x256xf32> to vector<2048x256xbf16>
    %dot_general3A_67 = arith.constant dense<0.000000e+00> : vector<2048x64xf32>
    %dot_general3A_68 = tpu.matmul %convert_element_type3A_66, %slice3A_59, %dot_general3A_67 {dimension_numbers = #tpu.dot_dimension_numbers<[1], [0], [0], [1], [0, 0, 1, 1], [], []>, transpose_lhs_hint = false} : vector<2048x256xbf16>, vector<256x64xbf16>, vector<2048x64xf32> -> vector<2048x64xf32>
    %add3A_69 = arith.addf %add3A_56, %dot_general3A_68 : vector<2048x64xf32>
    %add3A_70 = arith.addf %add3A_57, %broadcast_in_dim3A_65 : vector<2048x1xf32>
    %slice3A_71 = vector.extract_strided_slice %get3A_8 {offsets = [1280, 0], sizes = [256, 64], strides = [1, 1]} : vector<2048x128xbf16> to vector<256x64xbf16>
    %slice3A_72 = vector.extract_strided_slice %get3A_13 {offsets = [1280, 0], sizes = [256, 64], strides = [1, 1]} : vector<2048x128xbf16> to vector<256x64xbf16>
    %dot_general3A_73 = arith.constant dense<0.000000e+00> : vector<2048x256xf32>
    %dot_general3A_74 = tpu.matmul %slice3A, %slice3A_71, %dot_general3A_73 {dimension_numbers = #tpu.dot_dimension_numbers<[1], [1], [0], [0], [0, 0, 1, 0], [], []>, transpose_lhs_hint = false} : vector<2048x64xbf16>, vector<256x64xbf16>, vector<2048x256xf32> -> vector<2048x256xf32>
    %exp3A_75 = math.exp %dot_general3A_74 : vector<2048x256xf32>
    %reduce_sum3A_76 = arith.constant dense<0.000000e+00> : vector<2048xf32>
    %reduce_sum3A_77 = vector.multi_reduction <add>, %exp3A_75, %reduce_sum3A_76 [1] : vector<2048x256xf32> to vector<2048xf32>
    %broadcast_in_dim3A_78 = vector.shape_cast %reduce_sum3A_77 : vector<2048xf32> to vector<2048x1xf32>
    %convert_element_type3A_79 = arith.truncf %exp3A_75 : vector<2048x256xf32> to vector<2048x256xbf16>
    %dot_general3A_80 = arith.constant dense<0.000000e+00> : vector<2048x64xf32>
    %dot_general3A_81 = tpu.matmul %convert_element_type3A_79, %slice3A_72, %dot_general3A_80 {dimension_numbers = #tpu.dot_dimension_numbers<[1], [0], [0], [1], [0, 0, 1, 1], [], []>, transpose_lhs_hint = false} : vector<2048x256xbf16>, vector<256x64xbf16>, vector<2048x64xf32> -> vector<2048x64xf32>
    %add3A_82 = arith.addf %add3A_69, %dot_general3A_81 : vector<2048x64xf32>
    %add3A_83 = arith.addf %add3A_70, %broadcast_in_dim3A_78 : vector<2048x1xf32>
    %slice3A_84 = vector.extract_strided_slice %get3A_8 {offsets = [1536, 0], sizes = [256, 64], strides = [1, 1]} : vector<2048x128xbf16> to vector<256x64xbf16>
    %slice3A_85 = vector.extract_strided_slice %get3A_13 {offsets = [1536, 0], sizes = [256, 64], strides = [1, 1]} : vector<2048x128xbf16> to vector<256x64xbf16>
    %dot_general3A_86 = arith.constant dense<0.000000e+00> : vector<2048x256xf32>
    %dot_general3A_87 = tpu.matmul %slice3A, %slice3A_84, %dot_general3A_86 {dimension_numbers = #tpu.dot_dimension_numbers<[1], [1], [0], [0], [0, 0, 1, 0], [], []>, transpose_lhs_hint = false} : vector<2048x64xbf16>, vector<256x64xbf16>, vector<2048x256xf32> -> vector<2048x256xf32>
    %exp3A_88 = math.exp %dot_general3A_87 : vector<2048x256xf32>
    %reduce_sum3A_89 = arith.constant dense<0.000000e+00> : vector<2048xf32>
    %reduce_sum3A_90 = vector.multi_reduction <add>, %exp3A_88, %reduce_sum3A_89 [1] : vector<2048x256xf32> to vector<2048xf32>
    %broadcast_in_dim3A_91 = vector.shape_cast %reduce_sum3A_90 : vector<2048xf32> to vector<2048x1xf32>
    %convert_element_type3A_92 = arith.truncf %exp3A_88 : vector<2048x256xf32> to vector<2048x256xbf16>
    %dot_general3A_93 = arith.constant dense<0.000000e+00> : vector<2048x64xf32>
    %dot_general3A_94 = tpu.matmul %convert_element_type3A_92, %slice3A_85, %dot_general3A_93 {dimension_numbers = #tpu.dot_dimension_numbers<[1], [0], [0], [1], [0, 0, 1, 1], [], []>, transpose_lhs_hint = false} : vector<2048x256xbf16>, vector<256x64xbf16>, vector<2048x64xf32> -> vector<2048x64xf32>
    %add3A_95 = arith.addf %add3A_82, %dot_general3A_94 : vector<2048x64xf32>
    %add3A_96 = arith.addf %add3A_83, %broadcast_in_dim3A_91 : vector<2048x1xf32>
    %slice3A_97 = vector.extract_strided_slice %get3A_8 {offsets = [1792, 0], sizes = [256, 64], strides = [1, 1]} : vector<2048x128xbf16> to vector<256x64xbf16>
    %slice3A_98 = vector.extract_strided_slice %get3A_13 {offsets = [1792, 0], sizes = [256, 64], strides = [1, 1]} : vector<2048x128xbf16> to vector<256x64xbf16>
    %dot_general3A_99 = arith.constant dense<0.000000e+00> : vector<2048x256xf32>
    %dot_general3A_100 = tpu.matmul %slice3A, %slice3A_97, %dot_general3A_99 {dimension_numbers = #tpu.dot_dimension_numbers<[1], [1], [0], [0], [0, 0, 1, 0], [], []>, transpose_lhs_hint = false} : vector<2048x64xbf16>, vector<256x64xbf16>, vector<2048x256xf32> -> vector<2048x256xf32>
    %exp3A_101 = math.exp %dot_general3A_100 : vector<2048x256xf32>
    %reduce_sum3A_102 = arith.constant dense<0.000000e+00> : vector<2048xf32>
    %reduce_sum3A_103 = vector.multi_reduction <add>, %exp3A_101, %reduce_sum3A_102 [1] : vector<2048x256xf32> to vector<2048xf32>
    %broadcast_in_dim3A_104 = vector.shape_cast %reduce_sum3A_103 : vector<2048xf32> to vector<2048x1xf32>
    %convert_element_type3A_105 = arith.truncf %exp3A_101 : vector<2048x256xf32> to vector<2048x256xbf16>
    %dot_general3A_106 = arith.constant dense<0.000000e+00> : vector<2048x64xf32>
    %dot_general3A_107 = tpu.matmul %convert_element_type3A_105, %slice3A_98, %dot_general3A_106 {dimension_numbers = #tpu.dot_dimension_numbers<[1], [0], [0], [1], [0, 0, 1, 1], [], []>, transpose_lhs_hint = false} : vector<2048x256xbf16>, vector<256x64xbf16>, vector<2048x64xf32> -> vector<2048x64xf32>
    %add3A_108 = arith.addf %add3A_95, %dot_general3A_107 : vector<2048x64xf32>
    %add3A_109 = arith.addf %add3A_96, %broadcast_in_dim3A_104 : vector<2048x1xf32>
    %div3A = arith.constant 1.000000e+00 : f32
    %div3A_110 = vector.broadcast %div3A : f32 to vector<2048x1xf32>
    %div3A_111 = arith.divf %div3A_110, %add3A_109 : vector<2048x1xf32>
    %mul3A = vector.broadcast %div3A_111 : vector<2048x1xf32> to vector<2048x64xf32>
    %mul3A_112 = arith.mulf %add3A_108, %mul3A : vector<2048x64xf32>
    %convert_element_type3A_113 = arith.truncf %mul3A_112 : vector<2048x64xf32> to vector<2048x64xbf16>
    %slice3A_114 = vector.extract_strided_slice %get3A_3 {offsets = [0, 64], sizes = [2048, 64], strides = [1, 1]} : vector<2048x128xbf16> to vector<2048x64xbf16>
    %slice3A_115 = vector.extract_strided_slice %get3A_8 {offsets = [0, 64], sizes = [256, 64], strides = [1, 1]} : vector<2048x128xbf16> to vector<256x64xbf16>
    %slice3A_116 = vector.extract_strided_slice %get3A_13 {offsets = [0, 64], sizes = [256, 64], strides = [1, 1]} : vector<2048x128xbf16> to vector<256x64xbf16>
    %dot_general3A_117 = arith.constant dense<0.000000e+00> : vector<2048x256xf32>
    %dot_general3A_118 = tpu.matmul %slice3A_114, %slice3A_115, %dot_general3A_117 {dimension_numbers = #tpu.dot_dimension_numbers<[1], [1], [0], [0], [0, 0, 1, 0], [], []>, transpose_lhs_hint = false} : vector<2048x64xbf16>, vector<256x64xbf16>, vector<2048x256xf32> -> vector<2048x256xf32>
    %exp3A_119 = math.exp %dot_general3A_118 : vector<2048x256xf32>
    %reduce_sum3A_120 = arith.constant dense<0.000000e+00> : vector<2048xf32>
    %reduce_sum3A_121 = vector.multi_reduction <add>, %exp3A_119, %reduce_sum3A_120 [1] : vector<2048x256xf32> to vector<2048xf32>
    %broadcast_in_dim3A_122 = vector.shape_cast %reduce_sum3A_121 : vector<2048xf32> to vector<2048x1xf32>
    %convert_element_type3A_123 = arith.truncf %exp3A_119 : vector<2048x256xf32> to vector<2048x256xbf16>
    %dot_general3A_124 = arith.constant dense<0.000000e+00> : vector<2048x64xf32>
    %dot_general3A_125 = tpu.matmul %convert_element_type3A_123, %slice3A_116, %dot_general3A_124 {dimension_numbers = #tpu.dot_dimension_numbers<[1], [0], [0], [1], [0, 0, 1, 1], [], []>, transpose_lhs_hint = false} : vector<2048x256xbf16>, vector<256x64xbf16>, vector<2048x64xf32> -> vector<2048x64xf32>
    %slice3A_126 = vector.extract_strided_slice %get3A_8 {offsets = [256, 64], sizes = [256, 64], strides = [1, 1]} : vector<2048x128xbf16> to vector<256x64xbf16>
    %slice3A_127 = vector.extract_strided_slice %get3A_13 {offsets = [256, 64], sizes = [256, 64], strides = [1, 1]} : vector<2048x128xbf16> to vector<256x64xbf16>
    %dot_general3A_128 = arith.constant dense<0.000000e+00> : vector<2048x256xf32>
    %dot_general3A_129 = tpu.matmul %slice3A_114, %slice3A_126, %dot_general3A_128 {dimension_numbers = #tpu.dot_dimension_numbers<[1], [1], [0], [0], [0, 0, 1, 0], [], []>, transpose_lhs_hint = false} : vector<2048x64xbf16>, vector<256x64xbf16>, vector<2048x256xf32> -> vector<2048x256xf32>
    %exp3A_130 = math.exp %dot_general3A_129 : vector<2048x256xf32>
    %reduce_sum3A_131 = arith.constant dense<0.000000e+00> : vector<2048xf32>
    %reduce_sum3A_132 = vector.multi_reduction <add>, %exp3A_130, %reduce_sum3A_131 [1] : vector<2048x256xf32> to vector<2048xf32>
    %broadcast_in_dim3A_133 = vector.shape_cast %reduce_sum3A_132 : vector<2048xf32> to vector<2048x1xf32>
    %convert_element_type3A_134 = arith.truncf %exp3A_130 : vector<2048x256xf32> to vector<2048x256xbf16>
    %dot_general3A_135 = arith.constant dense<0.000000e+00> : vector<2048x64xf32>
    %dot_general3A_136 = tpu.matmul %convert_element_type3A_134, %slice3A_127, %dot_general3A_135 {dimension_numbers = #tpu.dot_dimension_numbers<[1], [0], [0], [1], [0, 0, 1, 1], [], []>, transpose_lhs_hint = false} : vector<2048x256xbf16>, vector<256x64xbf16>, vector<2048x64xf32> -> vector<2048x64xf32>
    %add3A_137 = arith.addf %dot_general3A_125, %dot_general3A_136 : vector<2048x64xf32>
    %add3A_138 = arith.addf %broadcast_in_dim3A_122, %broadcast_in_dim3A_133 : vector<2048x1xf32>
    %slice3A_139 = vector.extract_strided_slice %get3A_8 {offsets = [512, 64], sizes = [256, 64], strides = [1, 1]} : vector<2048x128xbf16> to vector<256x64xbf16>
    %slice3A_140 = vector.extract_strided_slice %get3A_13 {offsets = [512, 64], sizes = [256, 64], strides = [1, 1]} : vector<2048x128xbf16> to vector<256x64xbf16>
    %dot_general3A_141 = arith.constant dense<0.000000e+00> : vector<2048x256xf32>
    %dot_general3A_142 = tpu.matmul %slice3A_114, %slice3A_139, %dot_general3A_141 {dimension_numbers = #tpu.dot_dimension_numbers<[1], [1], [0], [0], [0, 0, 1, 0], [], []>, transpose_lhs_hint = false} : vector<2048x64xbf16>, vector<256x64xbf16>, vector<2048x256xf32> -> vector<2048x256xf32>
    %exp3A_143 = math.exp %dot_general3A_142 : vector<2048x256xf32>
    %reduce_sum3A_144 = arith.constant dense<0.000000e+00> : vector<2048xf32>
    %reduce_sum3A_145 = vector.multi_reduction <add>, %exp3A_143, %reduce_sum3A_144 [1] : vector<2048x256xf32> to vector<2048xf32>
    %broadcast_in_dim3A_146 = vector.shape_cast %reduce_sum3A_145 : vector<2048xf32> to vector<2048x1xf32>
    %convert_element_type3A_147 = arith.truncf %exp3A_143 : vector<2048x256xf32> to vector<2048x256xbf16>
    %dot_general3A_148 = arith.constant dense<0.000000e+00> : vector<2048x64xf32>
    %dot_general3A_149 = tpu.matmul %convert_element_type3A_147, %slice3A_140, %dot_general3A_148 {dimension_numbers = #tpu.dot_dimension_numbers<[1], [0], [0], [1], [0, 0, 1, 1], [], []>, transpose_lhs_hint = false} : vector<2048x256xbf16>, vector<256x64xbf16>, vector<2048x64xf32> -> vector<2048x64xf32>
    %add3A_150 = arith.addf %add3A_137, %dot_general3A_149 : vector<2048x64xf32>
    %add3A_151 = arith.addf %add3A_138, %broadcast_in_dim3A_146 : vector<2048x1xf32>
    %slice3A_152 = vector.extract_strided_slice %get3A_8 {offsets = [768, 64], sizes = [256, 64], strides = [1, 1]} : vector<2048x128xbf16> to vector<256x64xbf16>
    %slice3A_153 = vector.extract_strided_slice %get3A_13 {offsets = [768, 64], sizes = [256, 64], strides = [1, 1]} : vector<2048x128xbf16> to vector<256x64xbf16>
    %dot_general3A_154 = arith.constant dense<0.000000e+00> : vector<2048x256xf32>
    %dot_general3A_155 = tpu.matmul %slice3A_114, %slice3A_152, %dot_general3A_154 {dimension_numbers = #tpu.dot_dimension_numbers<[1], [1], [0], [0], [0, 0, 1, 0], [], []>, transpose_lhs_hint = false} : vector<2048x64xbf16>, vector<256x64xbf16>, vector<2048x256xf32> -> vector<2048x256xf32>
    %exp3A_156 = math.exp %dot_general3A_155 : vector<2048x256xf32>
    %reduce_sum3A_157 = arith.constant dense<0.000000e+00> : vector<2048xf32>
    %reduce_sum3A_158 = vector.multi_reduction <add>, %exp3A_156, %reduce_sum3A_157 [1] : vector<2048x256xf32> to vector<2048xf32>
    %broadcast_in_dim3A_159 = vector.shape_cast %reduce_sum3A_158 : vector<2048xf32> to vector<2048x1xf32>
    %convert_element_type3A_160 = arith.truncf %exp3A_156 : vector<2048x256xf32> to vector<2048x256xbf16>
    %dot_general3A_161 = arith.constant dense<0.000000e+00> : vector<2048x64xf32>
    %dot_general3A_162 = tpu.matmul %convert_element_type3A_160, %slice3A_153, %dot_general3A_161 {dimension_numbers = #tpu.dot_dimension_numbers<[1], [0], [0], [1], [0, 0, 1, 1], [], []>, transpose_lhs_hint = false} : vector<2048x256xbf16>, vector<256x64xbf16>, vector<2048x64xf32> -> vector<2048x64xf32>
    %add3A_163 = arith.addf %add3A_150, %dot_general3A_162 : vector<2048x64xf32>
    %add3A_164 = arith.addf %add3A_151, %broadcast_in_dim3A_159 : vector<2048x1xf32>
    %slice3A_165 = vector.extract_strided_slice %get3A_8 {offsets = [1024, 64], sizes = [256, 64], strides = [1, 1]} : vector<2048x128xbf16> to vector<256x64xbf16>
    %slice3A_166 = vector.extract_strided_slice %get3A_13 {offsets = [1024, 64], sizes = [256, 64], strides = [1, 1]} : vector<2048x128xbf16> to vector<256x64xbf16>
    %dot_general3A_167 = arith.constant dense<0.000000e+00> : vector<2048x256xf32>
    %dot_general3A_168 = tpu.matmul %slice3A_114, %slice3A_165, %dot_general3A_167 {dimension_numbers = #tpu.dot_dimension_numbers<[1], [1], [0], [0], [0, 0, 1, 0], [], []>, transpose_lhs_hint = false} : vector<2048x64xbf16>, vector<256x64xbf16>, vector<2048x256xf32> -> vector<2048x256xf32>
    %exp3A_169 = math.exp %dot_general3A_168 : vector<2048x256xf32>
    %reduce_sum3A_170 = arith.constant dense<0.000000e+00> : vector<2048xf32>
    %reduce_sum3A_171 = vector.multi_reduction <add>, %exp3A_169, %reduce_sum3A_170 [1] : vector<2048x256xf32> to vector<2048xf32>
    %broadcast_in_dim3A_172 = vector.shape_cast %reduce_sum3A_171 : vector<2048xf32> to vector<2048x1xf32>
    %convert_element_type3A_173 = arith.truncf %exp3A_169 : vector<2048x256xf32> to vector<2048x256xbf16>
    %dot_general3A_174 = arith.constant dense<0.000000e+00> : vector<2048x64xf32>
    %dot_general3A_175 = tpu.matmul %convert_element_type3A_173, %slice3A_166, %dot_general3A_174 {dimension_numbers = #tpu.dot_dimension_numbers<[1], [0], [0], [1], [0, 0, 1, 1], [], []>, transpose_lhs_hint = false} : vector<2048x256xbf16>, vector<256x64xbf16>, vector<2048x64xf32> -> vector<2048x64xf32>
    %add3A_176 = arith.addf %add3A_163, %dot_general3A_175 : vector<2048x64xf32>
    %add3A_177 = arith.addf %add3A_164, %broadcast_in_dim3A_172 : vector<2048x1xf32>
    %slice3A_178 = vector.extract_strided_slice %get3A_8 {offsets = [1280, 64], sizes = [256, 64], strides = [1, 1]} : vector<2048x128xbf16> to vector<256x64xbf16>
    %slice3A_179 = vector.extract_strided_slice %get3A_13 {offsets = [1280, 64], sizes = [256, 64], strides = [1, 1]} : vector<2048x128xbf16> to vector<256x64xbf16>
    %dot_general3A_180 = arith.constant dense<0.000000e+00> : vector<2048x256xf32>
    %dot_general3A_181 = tpu.matmul %slice3A_114, %slice3A_178, %dot_general3A_180 {dimension_numbers = #tpu.dot_dimension_numbers<[1], [1], [0], [0], [0, 0, 1, 0], [], []>, transpose_lhs_hint = false} : vector<2048x64xbf16>, vector<256x64xbf16>, vector<2048x256xf32> -> vector<2048x256xf32>
    %exp3A_182 = math.exp %dot_general3A_181 : vector<2048x256xf32>
    %reduce_sum3A_183 = arith.constant dense<0.000000e+00> : vector<2048xf32>
    %reduce_sum3A_184 = vector.multi_reduction <add>, %exp3A_182, %reduce_sum3A_183 [1] : vector<2048x256xf32> to vector<2048xf32>
    %broadcast_in_dim3A_185 = vector.shape_cast %reduce_sum3A_184 : vector<2048xf32> to vector<2048x1xf32>
    %convert_element_type3A_186 = arith.truncf %exp3A_182 : vector<2048x256xf32> to vector<2048x256xbf16>
    %dot_general3A_187 = arith.constant dense<0.000000e+00> : vector<2048x64xf32>
    %dot_general3A_188 = tpu.matmul %convert_element_type3A_186, %slice3A_179, %dot_general3A_187 {dimension_numbers = #tpu.dot_dimension_numbers<[1], [0], [0], [1], [0, 0, 1, 1], [], []>, transpose_lhs_hint = false} : vector<2048x256xbf16>, vector<256x64xbf16>, vector<2048x64xf32> -> vector<2048x64xf32>
    %add3A_189 = arith.addf %add3A_176, %dot_general3A_188 : vector<2048x64xf32>
    %add3A_190 = arith.addf %add3A_177, %broadcast_in_dim3A_185 : vector<2048x1xf32>
    %slice3A_191 = vector.extract_strided_slice %get3A_8 {offsets = [1536, 64], sizes = [256, 64], strides = [1, 1]} : vector<2048x128xbf16> to vector<256x64xbf16>
    %slice3A_192 = vector.extract_strided_slice %get3A_13 {offsets = [1536, 64], sizes = [256, 64], strides = [1, 1]} : vector<2048x128xbf16> to vector<256x64xbf16>
    %dot_general3A_193 = arith.constant dense<0.000000e+00> : vector<2048x256xf32>
    %dot_general3A_194 = tpu.matmul %slice3A_114, %slice3A_191, %dot_general3A_193 {dimension_numbers = #tpu.dot_dimension_numbers<[1], [1], [0], [0], [0, 0, 1, 0], [], []>, transpose_lhs_hint = false} : vector<2048x64xbf16>, vector<256x64xbf16>, vector<2048x256xf32> -> vector<2048x256xf32>
    %exp3A_195 = math.exp %dot_general3A_194 : vector<2048x256xf32>
    %reduce_sum3A_196 = arith.constant dense<0.000000e+00> : vector<2048xf32>
    %reduce_sum3A_197 = vector.multi_reduction <add>, %exp3A_195, %reduce_sum3A_196 [1] : vector<2048x256xf32> to vector<2048xf32>
    %broadcast_in_dim3A_198 = vector.shape_cast %reduce_sum3A_197 : vector<2048xf32> to vector<2048x1xf32>
    %convert_element_type3A_199 = arith.truncf %exp3A_195 : vector<2048x256xf32> to vector<2048x256xbf16>
    %dot_general3A_200 = arith.constant dense<0.000000e+00> : vector<2048x64xf32>
    %dot_general3A_201 = tpu.matmul %convert_element_type3A_199, %slice3A_192, %dot_general3A_200 {dimension_numbers = #tpu.dot_dimension_numbers<[1], [0], [0], [1], [0, 0, 1, 1], [], []>, transpose_lhs_hint = false} : vector<2048x256xbf16>, vector<256x64xbf16>, vector<2048x64xf32> -> vector<2048x64xf32>
    %add3A_202 = arith.addf %add3A_189, %dot_general3A_201 : vector<2048x64xf32>
    %add3A_203 = arith.addf %add3A_190, %broadcast_in_dim3A_198 : vector<2048x1xf32>
    %slice3A_204 = vector.extract_strided_slice %get3A_8 {offsets = [1792, 64], sizes = [256, 64], strides = [1, 1]} : vector<2048x128xbf16> to vector<256x64xbf16>
    %slice3A_205 = vector.extract_strided_slice %get3A_13 {offsets = [1792, 64], sizes = [256, 64], strides = [1, 1]} : vector<2048x128xbf16> to vector<256x64xbf16>
    %dot_general3A_206 = arith.constant dense<0.000000e+00> : vector<2048x256xf32>
    %dot_general3A_207 = tpu.matmul %slice3A_114, %slice3A_204, %dot_general3A_206 {dimension_numbers = #tpu.dot_dimension_numbers<[1], [1], [0], [0], [0, 0, 1, 0], [], []>, transpose_lhs_hint = false} : vector<2048x64xbf16>, vector<256x64xbf16>, vector<2048x256xf32> -> vector<2048x256xf32>
    %exp3A_208 = math.exp %dot_general3A_207 : vector<2048x256xf32>
    %reduce_sum3A_209 = arith.constant dense<0.000000e+00> : vector<2048xf32>
    %reduce_sum3A_210 = vector.multi_reduction <add>, %exp3A_208, %reduce_sum3A_209 [1] : vector<2048x256xf32> to vector<2048xf32>
    %broadcast_in_dim3A_211 = vector.shape_cast %reduce_sum3A_210 : vector<2048xf32> to vector<2048x1xf32>
    %convert_element_type3A_212 = arith.truncf %exp3A_208 : vector<2048x256xf32> to vector<2048x256xbf16>
    %dot_general3A_213 = arith.constant dense<0.000000e+00> : vector<2048x64xf32>
    %dot_general3A_214 = tpu.matmul %convert_element_type3A_212, %slice3A_205, %dot_general3A_213 {dimension_numbers = #tpu.dot_dimension_numbers<[1], [0], [0], [1], [0, 0, 1, 1], [], []>, transpose_lhs_hint = false} : vector<2048x256xbf16>, vector<256x64xbf16>, vector<2048x64xf32> -> vector<2048x64xf32>
    %add3A_215 = arith.addf %add3A_202, %dot_general3A_214 : vector<2048x64xf32>
    %add3A_216 = arith.addf %add3A_203, %broadcast_in_dim3A_211 : vector<2048x1xf32>
    %div3A_217 = arith.constant 1.000000e+00 : f32
    %div3A_218 = vector.broadcast %div3A_217 : f32 to vector<2048x1xf32>
    %div3A_219 = arith.divf %div3A_218, %add3A_216 : vector<2048x1xf32>
    %mul3A_220 = vector.broadcast %div3A_219 : vector<2048x1xf32> to vector<2048x64xf32>
    %mul3A_221 = arith.mulf %add3A_215, %mul3A_220 : vector<2048x64xf32>
    %convert_element_type3A_222 = arith.truncf %mul3A_221 : vector<2048x64xf32> to vector<2048x64xbf16>
    %concatenate3A = tpu.concatenate %convert_element_type3A_113, %convert_element_type3A_222 in 1 : vector<2048x64xbf16>, vector<2048x64xbf16> -> vector<2048x128xbf16>
    %get3A_223 = arith.constant 0 : index
    %get3A_224 = arith.constant 0 : index
    %get3A_225 = vector.load %arg7[%get3A_223, %get3A_224] : memref<128x768xbf16, #tpu.memory_space<vmem>>, vector<128x768xbf16>
    %dot_general3A_226 = arith.constant dense<0.000000e+00> : vector<2048x768xf32>
    %dot_general3A_227 = tpu.matmul %concatenate3A, %get3A_225, %dot_general3A_226 {dimension_numbers = #tpu.dot_dimension_numbers<[1], [0], [0], [1], [0, 0, 1, 1], [], []>, transpose_lhs_hint = false} : vector<2048x128xbf16>, vector<128x768xbf16>, vector<2048x768xf32> -> vector<2048x768xf32>
    %eq3A = arith.constant 0 : i32
    %eq3A_228 = arith.cmpi eq, %arg2, %eq3A : i32
    %convert_element_type3A_229 = arith.extui %eq3A_228 : i1 to i32
    %cond3A = arith.constant 0 : i32
    %cond3A_230 = arith.cmpi ne, %convert_element_type3A_229, %cond3A : i32
    scf.if %cond3A_230 {
      %get3A_249 = arith.constant 0 : index
      %get3A_250 = arith.constant 0 : index
      %get3A_251 = arith.constant 0 : index
      %get3A_252 = vector.load %arg6[%get3A_249, %get3A_250, %get3A_251] : memref<1x2048x768xf32, #tpu.memory_space<vmem>>, vector<1x2048x768xf32>
      %get3A_253 = vector.shape_cast %get3A_252 : vector<1x2048x768xf32> to vector<2048x768xf32>
      %get3A_254 = arith.constant 0 : index
      %get3A_255 = arith.constant 0 : index
      %get3A_256 = vector.load %arg8[%get3A_254, %get3A_255] : memref<1x768xf32, #tpu.memory_space<vmem>>, vector<1x768xf32>
      %add3A_257 = vector.broadcast %get3A_256 : vector<1x768xf32> to vector<2048x768xf32>
      %add3A_258 = arith.addf %get3A_253, %add3A_257 : vector<2048x768xf32>
      %swap3A_259 = arith.constant 0 : index
      %swap3A_260 = arith.constant 0 : index
      %swap3A_261 = arith.constant 0 : index
      %swap3A_262 = vector.load %arg10[%swap3A_259, %swap3A_260, %swap3A_261] : memref<1x2048x768xf32, #tpu.memory_space<vmem>>, vector<1x2048x768xf32>
      %swap3A_263 = vector.shape_cast %swap3A_262 : vector<1x2048x768xf32> to vector<2048x768xf32>
      %swap3A_264 = vector.shape_cast %add3A_258 : vector<2048x768xf32> to vector<1x2048x768xf32>
      tpu.vector_store %arg10[%swap3A_259, %swap3A_260, %swap3A_261], %swap3A_264 {strides = array<i32>} : memref<1x2048x768xf32, #tpu.memory_space<vmem>>, vector<1x2048x768xf32>,
    } else {
    }
    %get3A_231 = arith.constant 0 : index
    %get3A_232 = arith.constant 0 : index
    %get3A_233 = arith.constant 0 : index
    %get3A_234 = vector.load %arg10[%get3A_231, %get3A_232, %get3A_233] : memref<1x2048x768xf32, #tpu.memory_space<vmem>>, vector<1x2048x768xf32>
    %get3A_235 = vector.shape_cast %get3A_234 : vector<1x2048x768xf32> to vector<2048x768xf32>
    %add3A_236 = arith.addf %get3A_235, %dot_general3A_227 : vector<2048x768xf32>
    %swap3A = arith.constant 0 : index
    %swap3A_237 = arith.constant 0 : index
    %swap3A_238 = arith.constant 0 : index
    %swap3A_239 = vector.load %arg10[%swap3A, %swap3A_237, %swap3A_238] : memref<1x2048x768xf32, #tpu.memory_space<vmem>>, vector<1x2048x768xf32>
    %swap3A_240 = vector.shape_cast %swap3A_239 : vector<1x2048x768xf32> to vector<2048x768xf32>
    %swap3A_241 = vector.shape_cast %add3A_236 : vector<2048x768xf32> to vector<1x2048x768xf32>
    tpu.vector_store %arg10[%swap3A, %swap3A_237, %swap3A_238], %swap3A_241 {strides = array<i32>} : memref<1x2048x768xf32, #tpu.memory_space<vmem>>, vector<1x2048x768xf32>,
    %eq3A_242 = arith.constant 0 : i32
    %eq3A_243 = arith.cmpi eq, %arg1, %eq3A_242 : i32
    %eq3A_244 = arith.constant 5 : i32
    %eq3A_245 = arith.cmpi eq, %arg2, %eq3A_244 : i32
    %and3A = arith.andi %eq3A_243, %eq3A_245 : i1
    %convert_element_type3A_246 = arith.extui %and3A : i1 to i32
    %cond3A_247 = arith.constant 0 : i32
    %cond3A_248 = arith.cmpi ne, %convert_element_type3A_246, %cond3A_247 : i32
    scf.if %cond3A_248 {
      %get3A_249 = arith.constant 0 : index
      %get3A_250 = arith.constant 0 : index
      %get3A_251 = arith.constant 0 : index
      %get3A_252 = vector.load %arg10[%get3A_249, %get3A_250, %get3A_251] : memref<1x2048x768xf32, #tpu.memory_space<vmem>>, vector<1x2048x768xf32>
      %get3A_253 = vector.shape_cast %get3A_252 : vector<1x2048x768xf32> to vector<2048x768xf32>
      %slice3A_254 = vector.extract_strided_slice %get3A_253 {offsets = [0, 0], sizes = [1, 768], strides = [1, 1]} : vector<2048x768xf32> to vector<1x768xf32>
      %convert_element_type3A_255 = arith.truncf %slice3A_254 : vector<1x768xf32> to vector<1x768xbf16>
      %get3A_256 = arith.constant 0 : index
      %get3A_257 = arith.constant 0 : index
      %get3A_258 = vector.load %arg9[%get3A_256, %get3A_257] : memref<768x64xf32, #tpu.memory_space<vmem>>, vector<768x64xf32>
      %convert_element_type3A_259 = arith.truncf %get3A_258 : vector<768x64xf32> to vector<768x64xbf16>
      %dot_general3A_260 = arith.constant dense<0.000000e+00> : vector<1x64xf32>
      %dot_general3A_261 = tpu.matmul %convert_element_type3A_255, %convert_element_type3A_259, %dot_general3A_260 {dimension_numbers = #tpu.dot_dimension_numbers<[1], [0], [0], [1], [0, 0, 1, 1], [], []>, transpose_lhs_hint = false} : vector<1x768xbf16>, vector<768x64xbf16>, vector<1x64xf32> -> vector<1x64xf32>
      %iota3A = tpu.iota {dimensions = array<i32: 0>} : vector<8x64xi32>
      %eq3A_262 = arith.constant 0 : i32
      %eq3A_263 = arith.cmpi eq, %arg0, %eq3A_262 : i32
      %convert_element_type3A_264 = arith.extui %eq3A_263 : i1 to i32
      %cond3A_265 = arith.constant 0 : i32
      %cond3A_266 = arith.cmpi ne, %convert_element_type3A_264, %cond3A_265 : i32
      scf.if %cond3A_266 {
        %eq3A_271 = arith.constant 0 : i32
        %eq3A_272 = vector.broadcast %eq3A_271 : i32 to vector<8x64xi32>
        %eq3A_273 = arith.cmpi eq, %iota3A, %eq3A_272 : vector<8x64xi32>
        %jit3A = arith.constant 0.000000e+00 : f32
        %broadcast_in_dim3A_274 = vector.shape_cast %dot_general3A_261 : vector<1x64xf32> to vector<1x64xf32>
        %broadcast_in_dim3A_275 = vector.broadcast %broadcast_in_dim3A_274 : vector<1x64xf32> to vector<8x64xf32>
        %broadcast_in_dim3A_276 = vector.broadcast %jit3A : f32 to vector<8x64xf32>
        %select_n3A = arith.select %eq3A_273, %broadcast_in_dim3A_275, %broadcast_in_dim3A_276 : vector<8x64xi1>, vector<8x64xf32>
        %swap3A_277 = arith.constant 0 : index
        %swap3A_278 = arith.constant 0 : index
        %swap3A_279 = vector.load %arg11[%swap3A_277, %swap3A_278] : memref<8x64xf32, #tpu.memory_space<vmem>>, vector<8x64xf32>
        tpu.vector_store %arg11[%swap3A_277, %swap3A_278], %select_n3A {strides = array<i32>} : memref<8x64xf32, #tpu.memory_space<vmem>>, vector<8x64xf32>,
      } else {
      }
      %ne3A = arith.constant 0 : i32
      %ne3A_267 = arith.cmpi ne, %arg0, %ne3A : i32
      %convert_element_type3A_268 = arith.extui %ne3A_267 : i1 to i32
      %cond3A_269 = arith.constant 0 : i32
      %cond3A_270 = arith.cmpi ne, %convert_element_type3A_268, %cond3A_269 : i32
      scf.if %cond3A_270 {
        %eq3A_271 = arith.constant 1 : i32
        %eq3A_272 = vector.broadcast %eq3A_271 : i32 to vector<8x64xi32>
        %eq3A_273 = arith.cmpi eq, %iota3A, %eq3A_272 : vector<8x64xi32>
        %get3A_274 = arith.constant 0 : index
        %get3A_275 = arith.constant 0 : index
        %get3A_276 = vector.load %arg11[%get3A_274, %get3A_275] : memref<8x64xf32, #tpu.memory_space<vmem>>, vector<8x64xf32>
        %broadcast_in_dim3A_277 = vector.shape_cast %dot_general3A_261 : vector<1x64xf32> to vector<1x64xf32>
        %broadcast_in_dim3A_278 = vector.broadcast %broadcast_in_dim3A_277 : vector<1x64xf32> to vector<8x64xf32>
        %select_n3A = arith.select %eq3A_273, %broadcast_in_dim3A_278, %get3A_276 : vector<8x64xi1>, vector<8x64xf32>
        %swap3A_279 = arith.constant 0 : index
        %swap3A_280 = arith.constant 0 : index
        %swap3A_281 = vector.load %arg11[%swap3A_279, %swap3A_280] : memref<8x64xf32, #tpu.memory_space<vmem>>, vector<8x64xf32>
        tpu.vector_store %arg11[%swap3A_279, %swap3A_280], %select_n3A {strides = array<i32>} : memref<8x64xf32, #tpu.memory_space<vmem>>, vector<8x64xf32>,
      } else {
      }
    } else {
    }
    return
  }
  func.func @transform_0(%arg0: i32, %arg1: i32, %arg2: i32) -> (i32, i32, i32) {
    %c0_i32 = arith.constant 0 : i32
    return %arg0, %arg1, %arg2 : i32, i32, i32
  }
  func.func @transform_1(%arg0: i32, %arg1: i32, %arg2: i32) -> (i32, i32, i32) {
    %add3A = arith.constant 6 : i32
    %add3A_0 = arith.addi %add3A, %arg2 : i32
    %c0_i32 = arith.constant 0 : i32
    %c0_i32_1 = arith.constant 0 : i32
    return %arg0, %c0_i32, %add3A_0 : i32, i32, i32
  }
  func.func @transform_2(%arg0: i32, %arg1: i32, %arg2: i32) -> (i32, i32, i32) {
    %add3A = arith.constant 12 : i32
    %add3A_0 = arith.addi %add3A, %arg2 : i32
    %c0_i32 = arith.constant 0 : i32
    %c0_i32_1 = arith.constant 0 : i32
    return %arg0, %c0_i32, %add3A_0 : i32, i32, i32
  }
  func.func @transform_3(%arg0: i32, %arg1: i32, %arg2: i32) -> (i32, i32, i32) {
    %c0_i32 = arith.constant 0 : i32
    %c0_i32_0 = arith.constant 0 : i32
    return %arg0, %arg1, %c0_i32 : i32, i32, i32
  }
  func.func @transform_4(%arg0: i32, %arg1: i32, %arg2: i32) -> (i32, i32) {
    %c0_i32 = arith.constant 0 : i32
    %c0_i32_0 = arith.constant 0 : i32
    return %arg2, %c0_i32 : i32, i32
  }
  func.func @transform_5(%arg0: i32, %arg1: i32, %arg2: i32) -> (i32, i32) {
    %c0_i32 = arith.constant 0 : i32
    %c0_i32_0 = arith.constant 0 : i32
    %c0_i32_1 = arith.constant 0 : i32
    return %c0_i32, %c0_i32_0 : i32, i32
  }
  func.func @transform_6(%arg0: i32, %arg1: i32, %arg2: i32) -> (i32, i32) {
    %c0_i32 = arith.constant 0 : i32
    %c0_i32_0 = arith.constant 0 : i32
    %c0_i32_1 = arith.constant 0 : i32
    return %c0_i32, %c0_i32_0 : i32, i32
  }
  func.func @transform_7(%arg0: i32, %arg1: i32, %arg2: i32) -> (i32, i32, i32) {
    %c0_i32 = arith.constant 0 : i32
    %c0_i32_0 = arith.constant 0 : i32
    return %arg0, %arg1, %c0_i32 : i32, i32, i32
  }
  func.func @transform_8(%arg0: i32, %arg1: i32, %arg2: i32) -> (i32, i32) {
    %c0_i32 = arith.constant 0 : i32
    %c0_i32_0 = arith.constant 0 : i32
    %c0_i32_1 = arith.constant 0 : i32
    return %c0_i32, %c0_i32_0 : i32, i32
  }
}

module attributes {stable_mosaic.version = 14 : i64} {
  func.func @_mlp_moe_kernel(%arg0: i32, %arg1: i32, %arg2: i32, %arg3: memref<2x16xi32, #tpu.memory_space<smem>>, %arg4: memref<2x16xf32, #tpu.memory_space<smem>>, %arg5: memref<1x1024x768xf32, #tpu.memory_space<vmem>>, %arg6: memref<1x768xf32, #tpu.memory_space<vmem>>, %arg7: memref<1x768xf32, #tpu.memory_space<vmem>>, %arg8: memref<768x3072xbf16, #tpu.memory_space<vmem>>, %arg9: memref<1x3072xf32, #tpu.memory_space<vmem>>, %arg10: memref<3072x768xbf16, #tpu.memory_space<vmem>>, %arg11: memref<1x768xf32, #tpu.memory_space<vmem>>, %arg12: memref<1x768x64xf32, #tpu.memory_space<vmem>>, %arg13: memref<1x1x64xf32, #tpu.memory_space<vmem>>, %arg14: memref<1x64x768xf32, #tpu.memory_space<vmem>>, %arg15: memref<1x1x768xf32, #tpu.memory_space<vmem>>, %arg16: memref<1x1024x768xf32, #tpu.memory_space<vmem>>) attributes {dimension_semantics = [#tpu.dimension_semantics<arbitrary>, #tpu.dimension_semantics<arbitrary>, #tpu.dimension_semantics<arbitrary>], iteration_bounds = array<i64: 2, 2, 2>, scalar_prefetch = 2 : i64, scratch_operands = 0 : i64, tpu.core_type = #tpu.core_type<tc>, window_params = [{transform_indices = @transform_0, window_bounds = array<i64: 1, 1024, 768>}, {pipeline_mode = #tpu.pipeline_mode<synchronous>, transform_indices = @transform_1, window_bounds = array<i64: 1, 768>}, {pipeline_mode = #tpu.pipeline_mode<synchronous>, transform_indices = @transform_2, window_bounds = array<i64: 1, 768>}, {pipeline_mode = #tpu.pipeline_mode<synchronous>, transform_indices = @transform_3, window_bounds = array<i64: 768, 3072>}, {pipeline_mode = #tpu.pipeline_mode<synchronous>, transform_indices = @transform_4, window_bounds = array<i64: 1, 3072>}, {pipeline_mode = #tpu.pipeline_mode<synchronous>, transform_indices = @transform_5, window_bounds = array<i64: 3072, 768>}, {pipeline_mode = #tpu.pipeline_mode<synchronous>, transform_indices = @transform_6, window_bounds = array<i64: 1, 768>}, {transform_indices = @transform_7, window_bounds = array<i64: 1, 768, 64>}, {transform_indices = @transform_8, window_bounds = array<i64: 1, 1, 64>}, {transform_indices = @transform_9, window_bounds = array<i64: 1, 64, 768>}, {transform_indices = @transform_10, window_bounds = array<i64: 1, 1, 768>}, {transform_indices = @transform_11, window_bounds = array<i64: 1, 1024, 768>}]} {
    %get3A = arith.constant 0 : index
    %get3A_0 = arith.constant 0 : index
    %get3A_1 = arith.constant 0 : index
    %get3A_2 = vector.load %arg5[%get3A, %get3A_0, %get3A_1] : memref<1x1024x768xf32, #tpu.memory_space<vmem>>, vector<1x1024x768xf32>
    %get3A_3 = vector.shape_cast %get3A_2 : vector<1x1024x768xf32> to vector<1024x768xf32>
    %eq3A = arith.constant 0 : i32
    %eq3A_4 = arith.cmpi eq, %arg2, %eq3A : i32
    %convert_element_type3A = arith.extui %eq3A_4 : i1 to i32
    %cond3A = arith.constant 0 : i32
    %cond3A_5 = arith.cmpi ne, %convert_element_type3A, %cond3A : i32
    scf.if %cond3A_5 {
      %reduce_sum3A = arith.constant dense<0.000000e+00> : vector<1024xf32>
      %reduce_sum3A_65 = vector.multi_reduction <add>, %get3A_3, %reduce_sum3A [1] : vector<1024x768xf32> to vector<1024xf32>
      %broadcast_in_dim3A = vector.shape_cast %reduce_sum3A_65 : vector<1024xf32> to vector<1024x1xf32>
      %div3A_66 = arith.constant 7.680000e+02 : f32
      %div3A_67 = vector.broadcast %div3A_66 : f32 to vector<1024x1xf32>
      %div3A_68 = arith.divf %broadcast_in_dim3A, %div3A_67 : vector<1024x1xf32>
      %sub3A_69 = vector.broadcast %div3A_68 : vector<1024x1xf32> to vector<1024x768xf32>
      %sub3A_70 = arith.subf %get3A_3, %sub3A_69 : vector<1024x768xf32>
      %integer_pow3A = arith.mulf %sub3A_70, %sub3A_70 : vector<1024x768xf32>
      %reduce_sum3A_71 = arith.constant dense<0.000000e+00> : vector<1024xf32>
      %reduce_sum3A_72 = vector.multi_reduction <add>, %integer_pow3A, %reduce_sum3A_71 [1] : vector<1024x768xf32> to vector<1024xf32>
      %broadcast_in_dim3A_73 = vector.shape_cast %reduce_sum3A_72 : vector<1024xf32> to vector<1024x1xf32>
      %div3A_74 = arith.constant 7.680000e+02 : f32
      %div3A_75 = vector.broadcast %div3A_74 : f32 to vector<1024x1xf32>
      %div3A_76 = arith.divf %broadcast_in_dim3A_73, %div3A_75 : vector<1024x1xf32>
      %sub3A_77 = vector.broadcast %div3A_68 : vector<1024x1xf32> to vector<1024x768xf32>
      %sub3A_78 = arith.subf %get3A_3, %sub3A_77 : vector<1024x768xf32>
      %add3A_79 = arith.constant 9.99999974E-6 : f32
      %add3A_80 = vector.broadcast %add3A_79 : f32 to vector<1024x1xf32>
      %add3A_81 = arith.addf %div3A_76, %add3A_80 : vector<1024x1xf32>
      %sqrt3A = math.sqrt %add3A_81 : vector<1024x1xf32>
      %div3A_82 = vector.broadcast %sqrt3A : vector<1024x1xf32> to vector<1024x768xf32>
      %div3A_83 = arith.divf %sub3A_78, %div3A_82 : vector<1024x768xf32>
      %get3A_84 = arith.constant 0 : index
      %get3A_85 = arith.constant 0 : index
      %get3A_86 = vector.load %arg6[%get3A_84, %get3A_85] : memref<1x768xf32, #tpu.memory_space<vmem>>, vector<1x768xf32>
      %mul3A_87 = vector.broadcast %get3A_86 : vector<1x768xf32> to vector<1024x768xf32>
      %mul3A_88 = arith.mulf %div3A_83, %mul3A_87 : vector<1024x768xf32>
      %get3A_89 = arith.constant 0 : index
      %get3A_90 = arith.constant 0 : index
      %get3A_91 = vector.load %arg7[%get3A_89, %get3A_90] : memref<1x768xf32, #tpu.memory_space<vmem>>, vector<1x768xf32>
      %add3A_92 = vector.broadcast %get3A_91 : vector<1x768xf32> to vector<1024x768xf32>
      %add3A_93 = arith.addf %mul3A_88, %add3A_92 : vector<1024x768xf32>
      %convert_element_type3A_94 = arith.truncf %add3A_93 : vector<1024x768xf32> to vector<1024x768xbf16>
      %get3A_95 = arith.constant 0 : index
      %get3A_96 = arith.constant 0 : index
      %get3A_97 = vector.load %arg8[%get3A_95, %get3A_96] : memref<768x3072xbf16, #tpu.memory_space<vmem>>, vector<768x3072xbf16>
      %dot_general3A_98 = arith.constant dense<0.000000e+00> : vector<1024x3072xf32>
      %dot_general3A_99 = tpu.matmul %convert_element_type3A_94, %get3A_97, %dot_general3A_98 {dimension_numbers = #tpu.dot_dimension_numbers<[1], [0], [0], [1], [0, 0, 1, 1], [], []>, transpose_lhs_hint = false} : vector<1024x768xbf16>, vector<768x3072xbf16>, vector<1024x3072xf32> -> vector<1024x3072xf32>
      %get3A_100 = arith.constant 0 : index
      %get3A_101 = arith.constant 0 : index
      %get3A_102 = vector.load %arg9[%get3A_100, %get3A_101] : memref<1x3072xf32, #tpu.memory_space<vmem>>, vector<1x3072xf32>
      %add3A_103 = vector.broadcast %get3A_102 : vector<1x3072xf32> to vector<1024x3072xf32>
      %add3A_104 = arith.addf %dot_general3A_99, %add3A_103 : vector<1024x3072xf32>
      %mul3A_105 = arith.constant 1.702000e+00 : f32
      %mul3A_106 = vector.broadcast %mul3A_105 : f32 to vector<1024x3072xf32>
      %mul3A_107 = arith.mulf %mul3A_106, %add3A_104 : vector<1024x3072xf32>
      %logistic3A = arith.negf %mul3A_107 : vector<1024x3072xf32>
      %logistic3A_108 = math.exp %logistic3A : vector<1024x3072xf32>
      %logistic3A_109 = arith.constant 1.000000e+00 : f32
      %logistic3A_110 = vector.broadcast %logistic3A_109 : f32 to vector<1024x3072xf32>
      %logistic3A_111 = arith.addf %logistic3A_110, %logistic3A_108 : vector<1024x3072xf32>
      %logistic3A_112 = arith.divf %logistic3A_110, %logistic3A_111 : vector<1024x3072xf32>
      %mul3A_113 = arith.mulf %add3A_104, %logistic3A_112 : vector<1024x3072xf32>
      %convert_element_type3A_114 = arith.truncf %mul3A_113 : vector<1024x3072xf32> to vector<1024x3072xbf16>
      %get3A_115 = arith.constant 0 : index
      %get3A_116 = arith.constant 0 : index
      %get3A_117 = vector.load %arg10[%get3A_115, %get3A_116] : memref<3072x768xbf16, #tpu.memory_space<vmem>>, vector<3072x768xbf16>
      %dot_general3A_118 = arith.constant dense<0.000000e+00> : vector<1024x768xf32>
      %dot_general3A_119 = tpu.matmul %convert_element_type3A_114, %get3A_117, %dot_general3A_118 {dimension_numbers = #tpu.dot_dimension_numbers<[1], [0], [0], [1], [0, 0, 1, 1], [], []>, transpose_lhs_hint = false} : vector<1024x3072xbf16>, vector<3072x768xbf16>, vector<1024x768xf32> -> vector<1024x768xf32>
      %get3A_120 = arith.constant 0 : index
      %get3A_121 = arith.constant 0 : index
      %get3A_122 = vector.load %arg11[%get3A_120, %get3A_121] : memref<1x768xf32, #tpu.memory_space<vmem>>, vector<1x768xf32>
      %add3A_123 = vector.broadcast %get3A_122 : vector<1x768xf32> to vector<1024x768xf32>
      %add3A_124 = arith.addf %dot_general3A_119, %add3A_123 : vector<1024x768xf32>
      %add3A_125 = arith.addf %add3A_124, %get3A_3 : vector<1024x768xf32>
      %swap3A_126 = arith.constant 0 : index
      %swap3A_127 = arith.constant 0 : index
      %swap3A_128 = arith.constant 0 : index
      %swap3A_129 = vector.load %arg16[%swap3A_126, %swap3A_127, %swap3A_128] : memref<1x1024x768xf32, #tpu.memory_space<vmem>>, vector<1x1024x768xf32>
      %swap3A_130 = vector.shape_cast %swap3A_129 : vector<1x1024x768xf32> to vector<1024x768xf32>
      %swap3A_131 = vector.shape_cast %add3A_125 : vector<1024x768xf32> to vector<1x1024x768xf32>
      tpu.vector_store %arg16[%swap3A_126, %swap3A_127, %swap3A_128], %swap3A_131 {strides = array<i32>} : memref<1x1024x768xf32, #tpu.memory_space<vmem>>, vector<1x1024x768xf32>,
    } else {
    }
    %get3A_6 = arith.index_cast %arg0 : i32 to index
    %get3A_7 = arith.constant 0 : index
    %get3A_8 = memref.load %arg4[%get3A_6, %get3A_7] : memref<2x16xf32, #tpu.memory_space<smem>>
    %get3A_9 = arith.index_cast %arg0 : i32 to index
    %get3A_10 = arith.constant 1 : index
    %get3A_11 = memref.load %arg4[%get3A_9, %get3A_10] : memref<2x16xf32, #tpu.memory_space<smem>>
    %sub3A = arith.subf %get3A_11, %get3A_8 : f32
    %exp3A = math.exp %sub3A : f32
    %add3A = arith.constant 1.000000e+00 : f32
    %add3A_12 = arith.addf %add3A, %exp3A : f32
    %div3A = arith.constant 1.000000e+00 : f32
    %div3A_13 = arith.divf %div3A, %add3A_12 : f32
    %eq3A_14 = arith.constant 0 : i32
    %eq3A_15 = arith.cmpi eq, %arg2, %eq3A_14 : i32
    %sub3A_16 = arith.constant 1.000000e+00 : f32
    %sub3A_17 = arith.subf %sub3A_16, %div3A_13 : f32
    %select_n3A = arith.select %eq3A_15, %div3A_13, %sub3A_17 : f32
    %mul3A = arith.constant 1.000000e-01 : f32
    %mul3A_18 = arith.mulf %select_n3A, %mul3A : f32
    %convert_element_type3A_19 = arith.truncf %get3A_3 : vector<1024x768xf32> to vector<1024x768xbf16>
    %get3A_20 = arith.constant 0 : index
    %get3A_21 = arith.constant 0 : index
    %get3A_22 = arith.constant 0 : index
    %get3A_23 = vector.load %arg12[%get3A_20, %get3A_21, %get3A_22] : memref<1x768x64xf32, #tpu.memory_space<vmem>>, vector<1x768x64xf32>
    %get3A_24 = vector.shape_cast %get3A_23 : vector<1x768x64xf32> to vector<768x64xf32>
    %convert_element_type3A_25 = arith.truncf %get3A_24 : vector<768x64xf32> to vector<768x64xbf16>
    %dot_general3A = arith.constant dense<0.000000e+00> : vector<1024x64xf32>
    %dot_general3A_26 = tpu.matmul %convert_element_type3A_19, %convert_element_type3A_25, %dot_general3A {dimension_numbers = #tpu.dot_dimension_numbers<[1], [0], [0], [1], [0, 0, 1, 1], [], []>, transpose_lhs_hint = false} : vector<1024x768xbf16>, vector<768x64xbf16>, vector<1024x64xf32> -> vector<1024x64xf32>
    %get3A_27 = arith.constant 0 : index
    %get3A_28 = arith.constant 0 : index
    %get3A_29 = arith.constant 0 : index
    %get3A_30 = vector.load %arg13[%get3A_27, %get3A_28, %get3A_29] : memref<1x1x64xf32, #tpu.memory_space<vmem>>, vector<1x1x64xf32>
    %get3A_31 = vector.shape_cast %get3A_30 : vector<1x1x64xf32> to vector<1x64xf32>
    %add3A_32 = vector.broadcast %get3A_31 : vector<1x64xf32> to vector<1024x64xf32>
    %add3A_33 = arith.addf %dot_general3A_26, %add3A_32 : vector<1024x64xf32>
    %max3A = arith.constant 0.000000e+00 : f32
    %max3A_34 = vector.broadcast %max3A : f32 to vector<1024x64xf32>
    %max3A_35 = arith.maximumf %add3A_33, %max3A_34 : vector<1024x64xf32>
    %convert_element_type3A_36 = arith.truncf %max3A_35 : vector<1024x64xf32> to vector<1024x64xbf16>
    %get3A_37 = arith.constant 0 : index
    %get3A_38 = arith.constant 0 : index
    %get3A_39 = arith.constant 0 : index
    %get3A_40 = vector.load %arg14[%get3A_37, %get3A_38, %get3A_39] : memref<1x64x768xf32, #tpu.memory_space<vmem>>, vector<1x64x768xf32>
    %get3A_41 = vector.shape_cast %get3A_40 : vector<1x64x768xf32> to vector<64x768xf32>
    %convert_element_type3A_42 = arith.truncf %get3A_41 : vector<64x768xf32> to vector<64x768xbf16>
    %dot_general3A_43 = arith.constant dense<0.000000e+00> : vector<1024x768xf32>
    %dot_general3A_44 = tpu.matmul %convert_element_type3A_36, %convert_element_type3A_42, %dot_general3A_43 {dimension_numbers = #tpu.dot_dimension_numbers<[1], [0], [0], [1], [0, 0, 1, 1], [], []>, transpose_lhs_hint = false} : vector<1024x64xbf16>, vector<64x768xbf16>, vector<1024x768xf32> -> vector<1024x768xf32>
    %get3A_45 = arith.constant 0 : index
    %get3A_46 = arith.constant 0 : index
    %get3A_47 = arith.constant 0 : index
    %get3A_48 = vector.load %arg16[%get3A_45, %get3A_46, %get3A_47] : memref<1x1024x768xf32, #tpu.memory_space<vmem>>, vector<1x1024x768xf32>
    %get3A_49 = vector.shape_cast %get3A_48 : vector<1x1024x768xf32> to vector<1024x768xf32>
    %get3A_50 = arith.constant 0 : index
    %get3A_51 = arith.constant 0 : index
    %get3A_52 = arith.constant 0 : index
    %get3A_53 = vector.load %arg15[%get3A_50, %get3A_51, %get3A_52] : memref<1x1x768xf32, #tpu.memory_space<vmem>>, vector<1x1x768xf32>
    %get3A_54 = vector.shape_cast %get3A_53 : vector<1x1x768xf32> to vector<1x768xf32>
    %add3A_55 = vector.broadcast %get3A_54 : vector<1x768xf32> to vector<1024x768xf32>
    %add3A_56 = arith.addf %dot_general3A_44, %add3A_55 : vector<1024x768xf32>
    %mul3A_57 = vector.broadcast %mul3A_18 : f32 to vector<1024x768xf32>
    %mul3A_58 = arith.mulf %mul3A_57, %add3A_56 : vector<1024x768xf32>
    %add3A_59 = arith.addf %get3A_49, %mul3A_58 : vector<1024x768xf32>
    %swap3A = arith.constant 0 : index
    %swap3A_60 = arith.constant 0 : index
    %swap3A_61 = arith.constant 0 : index
    %swap3A_62 = vector.load %arg16[%swap3A, %swap3A_60, %swap3A_61] : memref<1x1024x768xf32, #tpu.memory_space<vmem>>, vector<1x1024x768xf32>
    %swap3A_63 = vector.shape_cast %swap3A_62 : vector<1x1024x768xf32> to vector<1024x768xf32>
    %swap3A_64 = vector.shape_cast %add3A_59 : vector<1024x768xf32> to vector<1x1024x768xf32>
    tpu.vector_store %arg16[%swap3A, %swap3A_60, %swap3A_61], %swap3A_64 {strides = array<i32>} : memref<1x1024x768xf32, #tpu.memory_space<vmem>>, vector<1x1024x768xf32>,
    return
  }
  func.func @transform_0(%arg0: i32, %arg1: i32, %arg2: i32, %arg3: memref<2x16xi32, #tpu.memory_space<smem>>, %arg4: memref<2x16xf32, #tpu.memory_space<smem>>) -> (i32, i32, i32) {
    %c0_i32 = arith.constant 0 : i32
    %c0_i32_0 = arith.constant 0 : i32
    return %arg0, %arg1, %c0_i32 : i32, i32, i32
  }
  func.func @transform_1(%arg0: i32, %arg1: i32, %arg2: i32, %arg3: memref<2x16xi32, #tpu.memory_space<smem>>, %arg4: memref<2x16xf32, #tpu.memory_space<smem>>) -> (i32, i32) {
    %c0_i32 = arith.constant 0 : i32
    %c0_i32_0 = arith.constant 0 : i32
    %c0_i32_1 = arith.constant 0 : i32
    return %c0_i32, %c0_i32_0 : i32, i32
  }
  func.func @transform_2(%arg0: i32, %arg1: i32, %arg2: i32, %arg3: memref<2x16xi32, #tpu.memory_space<smem>>, %arg4: memref<2x16xf32, #tpu.memory_space<smem>>) -> (i32, i32) {
    %c0_i32 = arith.constant 0 : i32
    %c0_i32_0 = arith.constant 0 : i32
    %c0_i32_1 = arith.constant 0 : i32
    return %c0_i32, %c0_i32_0 : i32, i32
  }
  func.func @transform_3(%arg0: i32, %arg1: i32, %arg2: i32, %arg3: memref<2x16xi32, #tpu.memory_space<smem>>, %arg4: memref<2x16xf32, #tpu.memory_space<smem>>) -> (i32, i32) {
    %c0_i32 = arith.constant 0 : i32
    %c0_i32_0 = arith.constant 0 : i32
    %c0_i32_1 = arith.constant 0 : i32
    return %c0_i32, %c0_i32_0 : i32, i32
  }
  func.func @transform_4(%arg0: i32, %arg1: i32, %arg2: i32, %arg3: memref<2x16xi32, #tpu.memory_space<smem>>, %arg4: memref<2x16xf32, #tpu.memory_space<smem>>) -> (i32, i32) {
    %c0_i32 = arith.constant 0 : i32
    %c0_i32_0 = arith.constant 0 : i32
    %c0_i32_1 = arith.constant 0 : i32
    return %c0_i32, %c0_i32_0 : i32, i32
  }
  func.func @transform_5(%arg0: i32, %arg1: i32, %arg2: i32, %arg3: memref<2x16xi32, #tpu.memory_space<smem>>, %arg4: memref<2x16xf32, #tpu.memory_space<smem>>) -> (i32, i32) {
    %c0_i32 = arith.constant 0 : i32
    %c0_i32_0 = arith.constant 0 : i32
    %c0_i32_1 = arith.constant 0 : i32
    return %c0_i32, %c0_i32_0 : i32, i32
  }
  func.func @transform_6(%arg0: i32, %arg1: i32, %arg2: i32, %arg3: memref<2x16xi32, #tpu.memory_space<smem>>, %arg4: memref<2x16xf32, #tpu.memory_space<smem>>) -> (i32, i32) {
    %c0_i32 = arith.constant 0 : i32
    %c0_i32_0 = arith.constant 0 : i32
    %c0_i32_1 = arith.constant 0 : i32
    return %c0_i32, %c0_i32_0 : i32, i32
  }
  func.func @transform_7(%arg0: i32, %arg1: i32, %arg2: i32, %arg3: memref<2x16xi32, #tpu.memory_space<smem>>, %arg4: memref<2x16xf32, #tpu.memory_space<smem>>) -> (i32, i32, i32) {
    %get3A = arith.index_cast %arg0 : i32 to index
    %get3A_0 = arith.index_cast %arg2 : i32 to index
    %get3A_1 = memref.load %arg3[%get3A, %get3A_0] : memref<2x16xi32, #tpu.memory_space<smem>>
    %c0_i32 = arith.constant 0 : i32
    %c0_i32_2 = arith.constant 0 : i32
    %c0_i32_3 = arith.constant 0 : i32
    return %get3A_1, %c0_i32, %c0_i32_2 : i32, i32, i32
  }
  func.func @transform_8(%arg0: i32, %arg1: i32, %arg2: i32, %arg3: memref<2x16xi32, #tpu.memory_space<smem>>, %arg4: memref<2x16xf32, #tpu.memory_space<smem>>) -> (i32, i32, i32) {
    %get3A = arith.index_cast %arg0 : i32 to index
    %get3A_0 = arith.index_cast %arg2 : i32 to index
    %get3A_1 = memref.load %arg3[%get3A, %get3A_0] : memref<2x16xi32, #tpu.memory_space<smem>>
    %c0_i32 = arith.constant 0 : i32
    %c0_i32_2 = arith.constant 0 : i32
    %c0_i32_3 = arith.constant 0 : i32
    return %get3A_1, %c0_i32, %c0_i32_2 : i32, i32, i32
  }
  func.func @transform_9(%arg0: i32, %arg1: i32, %arg2: i32, %arg3: memref<2x16xi32, #tpu.memory_space<smem>>, %arg4: memref<2x16xf32, #tpu.memory_space<smem>>) -> (i32, i32, i32) {
    %get3A = arith.index_cast %arg0 : i32 to index
    %get3A_0 = arith.index_cast %arg2 : i32 to index
    %get3A_1 = memref.load %arg3[%get3A, %get3A_0] : memref<2x16xi32, #tpu.memory_space<smem>>
    %c0_i32 = arith.constant 0 : i32
    %c0_i32_2 = arith.constant 0 : i32
    %c0_i32_3 = arith.constant 0 : i32
    return %get3A_1, %c0_i32, %c0_i32_2 : i32, i32, i32
  }
  func.func @transform_10(%arg0: i32, %arg1: i32, %arg2: i32, %arg3: memref<2x16xi32, #tpu.memory_space<smem>>, %arg4: memref<2x16xf32, #tpu.memory_space<smem>>) -> (i32, i32, i32) {
    %get3A = arith.index_cast %arg0 : i32 to index
    %get3A_0 = arith.index_cast %arg2 : i32 to index
    %get3A_1 = memref.load %arg3[%get3A, %get3A_0] : memref<2x16xi32, #tpu.memory_space<smem>>
    %c0_i32 = arith.constant 0 : i32
    %c0_i32_2 = arith.constant 0 : i32
    %c0_i32_3 = arith.constant 0 : i32
    return %get3A_1, %c0_i32, %c0_i32_2 : i32, i32, i32
  }
  func.func @transform_11(%arg0: i32, %arg1: i32, %arg2: i32, %arg3: memref<2x16xi32, #tpu.memory_space<smem>>, %arg4: memref<2x16xf32, #tpu.memory_space<smem>>) -> (i32, i32, i32) {
    %c0_i32 = arith.constant 0 : i32
    %c0_i32_0 = arith.constant 0 : i32
    return %arg0, %arg1, %c0_i32 : i32, i32, i32
  }
}

</mosaic_0001>

<sc_bundles>
// kernel: kernel.6.cloned.1.call-start
scs
__scs_entry_jumppad:
0x0: {  	(pc) =	sbr.rel $0x88, $3  }
0x1: {  	(tag) =	ssettag $0x0;
	lr =	simm.s32 $0x1  }
0x2: {  	[smem:$0x3F8F] =	sst lr;
	_ =	strace $0xD0000000  }
0x3: {  	_ = 	snop  }
0x4: {  	_ = 	snop  }
0x5: {  	_ = 	snop  }
0x6: {  	_ = 	snop  }
0x7: {  	_ = 	snop  }
__scs_overlays_trampoline_lowered:
0x8: {  	[smem:$0x3F9E] =	sst s0  }
0x9: {  	[smem:$0x3F9F] =	sst s1  }
0xa: {  	[smem:$0x3FA0] =	sst s2  }
0xb: {  	[smem:$0x3FA1] =	sst s3  }
0xc: {  	[smem:$0x3FA2] =	sst s4  }
0xd: {  	[smem:$0x3FA3] =	sst s5  }
0xe: {  	[smem:$0x3FA4] =	sst s6  }
0xf: {  	[smem:$0x3FA5] =	sst s7  }
0x10: {  	[smem:$0x3FA6] =	sst s8  }
0x11: {  	[smem:$0x3FA7] =	sst s9;
	s0 =	simm.s32 @!p0 $0x0  }
0x12: {  	s1 =	sld [smem:$0x3F8D];
	s0 =	simm.s32 @p0 $0x1  }
0x13: {  	[smem:$0x3FA8] =	sst s0;
	s0 =	simm.s32 @!p1 $0x0  }
0x14: {  	s2 =	sld [smem:$0x3F8C];
	s0 =	simm.s32 @p1 $0x1  }
0x15: {  	[smem:$0x3FA9] =	sst s0;
	s0 =	simm.s32 @!p2 $0x0  }
0x16: {  	s3 =	sld [smem:$0x3FDB];
	s0 =	simm.s32 @p2 $0x1  }
0x17: {  	s4 =	simm.s32 $0x1BF5;
	[smem:$0x3FAB] =	sst s0  }
0x18: {  	s0 =	sld [smem:$0x3F8E];
	_ =	swait.ge [sflag:s4], $0x0  }
0x19: {  	s7 =	sld [smem:$0x3F8F]  }
0x1a: {  	s8 =	sadd.s32 $0xFFFFE003, lr  }
0x1b: {  	s9 =	sadd.s32 $0xFFFFFEF7, lr;
	s5 =	simm.s32 $0xFFFFFFFF;
	p2 =	slt.u32 s8, $0xFFFFF086  }
0x1c: {  	p1 =	slt.u32 s9, $0xF7A;
	s5 =	simm.s32 @!p2 $0x0  }
0x1d: {  	s5 =	simm.s32 @p1 $0x1;
	p0 =	seq.s32 s7, s2  }
0x1e: {  	s7 =	smul.u32 @!p0 $0xF7A, s2;
	p2 =	seq.s32 @!p0 s5, $0x0  }
0x1f: {  	s9 =	smul.u32 $0xF7A, s1;
	s8 =	simm.s32 @!p0 $0x1BF5;
	p2 =	por !p2, p0  }
0x20: {  	[sflag:s8] =	ssyncset.s32 @!p0 $0xFFFFF086;
	s6 =	sadd.s32 @!p0 s3, s7;
	s7 =	simm.s32 @!p0 $0x108  }
0x21: {  	s3 =	sadd.s32 s3, s9;
	s6 =	sadd.s32 @!p0 $0x88, s6;
	s7 =	simm.s32 @p2 $0x1082  }
0x22: {  	[simem:s7], [sflag:s8] =	dma.local @!p0 [hbm:s6], $0xF7A  }
0x23: {  	s9 =	sor.u32 $0xD0000000, s2;
	s6 =	simm.s32 $0x108;
	_ =	swait.ge @!p0 [sflag:s8], $0x0  }
0x24: {  	s3 =	sadd.s32 $0x88, s3;
	s6 =	simm.s32 @!p1 $0x1082;
	[sflag:s4] =	ssyncset.s32 $0xFFFFF086  }
0x25: {  	[simem:s6], [sflag:s4] =	dma.local [hbm:s3], $0xF7A  }
0x26: {  	[smem:$0x3F8F] =	sst s1;
	(tag) =	ssettag s2;
	_ =	strace s9  }
0x27: {  	s1 =	sld [smem:$0x3F9F]  }
0x28: {  	s2 =	sld [smem:$0x3FA0]  }
0x29: {  	s4 =	sld [smem:$0x3FA2]  }
0x2a: {  	p0 =	seq.s32 s5, $0x0;
	s5 =	sld [smem:$0x3FA3]  }
0x2b: {  	s6 =	sld [smem:$0x3FA4]  }
0x2c: {  	s7 =	sld [smem:$0x3FA5]  }
0x2d: {  	s3 =	simm.s32 $0x108;
	s8 =	sld [smem:$0x3FA6]  }
0x2e: {  	s3 =	simm.s32 @!p0 $0x1082;
	s9 =	sld [smem:$0x3FA7]  }
0x2f: {  	lr =	sadd.s32 s0, s3;
	s0 =	sld [smem:$0x3F9E]  }
0x30: {  	s3 =	sld [smem:$0x3FA1]  }
0x31: {  	[smem:$0x3FAA] =	sst s10  }
0x32: {  	s10 =	sld [smem:$0x3FA8];
	_ =	sdelay $0x3  }
0x33: {  	p0 =	seq.s32 s10, $0x1;
	s10 =	sld [smem:$0x3FAA];
	_ =	sdelay $0x3  }
0x34: {  	[smem:$0x3FAA] =	sst s10  }
0x35: {  	s10 =	sld [smem:$0x3FA9];
	_ =	sdelay $0x3  }
0x36: {  	p1 =	seq.s32 s10, $0x1;
	s10 =	sld [smem:$0x3FAA];
	_ =	sdelay $0x3  }
0x37: {  	[smem:$0x3FAA] =	sst s10  }
0x38: {  	s10 =	sld [smem:$0x3FAB]  }
0x39: {  	_ = 	snop;
	(pc) =	sbr.ind lr, $3  }
0x3a: {  	_ = 	snop  }
0x3b: {  	_ = 	snop  }
0x3c: {  	p2 =	seq.s32 s10, $0x1;
	s10 =	sld [smem:$0x3FAA]  }
0x3d: {  	_ =	shalt  }
0x3e: {  	_ =	shalt  }
0x3f: {  	_ =	shalt  }
0x40: {  	_ =	shalt  }
0x41: {  	_ =	shalt  }
0x42: {  	_ =	shalt  }
0x43: {  	_ =	shalt  }
0x44: {  	_ =	shalt  }
0x45: {  	_ =	shalt  }
0x46: {  	_ =	shalt  }
0x47: {  	_ =	shalt  }
0x48: {  	_ =	shalt  }
0x49: {  	_ =	shalt  }
0x4a: {  	_ =	shalt  }
0x4b: {  	_ =	shalt  }
0x4c: {  	_ =	shalt  }
0x4d: {  	_ =	shalt  }
0x4e: {  	_ =	shalt  }
0x4f: {  	_ =	shalt  }
0x50: {  	_ =	shalt  }
0x51: {  	_ =	shalt  }
0x52: {  	_ =	shalt  }
0x53: {  	_ =	shalt  }
0x54: {  	_ =	shalt  }
0x55: {  	_ =	shalt  }
0x56: {  	_ =	shalt  }
0x57: {  	_ =	shalt  }
0x58: {  	_ =	shalt  }
0x59: {  	_ =	shalt  }
0x5a: {  	_ =	shalt  }
0x5b: {  	_ =	shalt  }
0x5c: {  	_ =	shalt  }
0x5d: {  	_ =	shalt  }
0x5e: {  	_ =	shalt  }
0x5f: {  	_ =	shalt  }
0x60: {  	_ =	shalt  }
0x61: {  	_ =	shalt  }
0x62: {  	_ =	shalt  }
0x63: {  	_ =	shalt  }
0x64: {  	_ =	shalt  }
0x65: {  	_ =	shalt  }
0x66: {  	_ =	shalt  }
0x67: {  	_ =	shalt  }
0x68: {  	_ =	shalt  }
0x69: {  	_ =	shalt  }
0x6a: {  	_ =	shalt  }
0x6b: {  	_ =	shalt  }
0x6c: {  	_ =	shalt  }
0x6d: {  	_ =	shalt  }
0x6e: {  	_ =	shalt  }
0x6f: {  	_ =	shalt  }
0x70: {  	_ =	shalt  }
0x71: {  	_ =	shalt  }
0x72: {  	_ =	shalt  }
0x73: {  	_ =	shalt  }
0x74: {  	_ =	shalt  }
0x75: {  	_ =	shalt  }
0x76: {  	_ =	shalt  }
0x77: {  	_ =	shalt  }
0x78: {  	_ =	shalt  }
0x79: {  	_ =	shalt  }
0x7a: {  	_ =	shalt  }
0x7b: {  	_ =	shalt  }
0x7c: {  	_ =	shalt  }
0x7d: {  	_ =	shalt  }
0x7e: {  	_ =	shalt  }
0x7f: {  	_ =	shalt  }
0x80: {  	_ =	shalt  }
0x81: {  	_ =	shalt  }
0x82: {  	_ =	shalt  }
0x83: {  	_ =	shalt  }
0x84: {  	_ =	shalt  }
0x85: {  	_ =	shalt  }
0x86: {  	_ =	shalt  }
0x87: {  	_ =	shalt  }
.Lfunc_end0:
.L_simem_size_0:
called_computation_lowered:
.L_overlay_start_0:
0x88: {  	s2 =	sld [smem:$0x3FD9]  }
0x89: {  	s3 =	sld [smem:$0x3FFE];
	_ =	sdelay $0x1  }
0x8a: {  	s1 =	srdreg.scid  }
0x8b: {  	s0 =	sand.u32 $0x1, s1  }
0x8c: {  	s28 =	sshll.u32 s0, $0xA;
	s2 =	sadd.s32 s3, s2  }
0x8d: {  	s2 =	sadd.s32 s2, s28  }
0x8e: {  	[smem:$0x3FB6] =	sst s2  }
0x8f: {  	_ = 	snop  }
0x90: {  	(tm) =	ssettm $0x1  }
0x91: {  	s29 =	sld [smem:$0x3FFB];
	_ =	sdelay $0x3  }
0x92: {  	_ =	strace s29  }
0x93: {  	s2 =	sld [smem:$0x3FFC];
	_ =	sdelay $0x3  }
0x94: {  	_ =	strace s2  }
0x95: {  	s2 =	sld [smem:$0x3FFD];
	_ =	sdelay $0x3  }
0x96: {  	_ =	strace s2  }
0x97: {  	s30 =	simm.s32 $0x1B8B;
	_ =	strace $0x8FFFFFFF  }
0x98: {  	p0 =	seq.s32 s0, $0x1;
	_ =	swait.ge [sflag:s30], $0x1  }
.Ltmp0:
0x99: {  	[sflag:s30] =	ssyncset.done $0x0;
	(pc) =	sbr.rel @p0 .LBB1_10-.Ltmp0, $3  }
0x9a: {  	s31 =	simm.s32 $0x1B8E;
	[sflag:s30] =	ssyncadd.s32 $0xFFFFFFFF  }
0x9b: {  	[smem:$0x3FD2] =	sst s31  }
0x9c: {  	s3 =	sld [smem:$0x3FFE];
	_ =	strace $0x80000046  }
0x9d: {  	_ =	sdelay $0x2  }
0x9e: {  	s2 =	simm.s32 $0x9;
	s5 =	simm.s32 $0x10;
	s4 =	sadd.s32 $0x4600, s3  }
0x9f: {  	[smem:s5], [sflag:s2] =	dma.local [hbm:s4], $0x80  }
0xa0: {  	_ =	swait.ge [sflag:s2], $0x80  }
0xa1: {  	[sflag:s2] =	ssyncset.done $0x0  }
0xa2: {  	[sflag:s2] =	ssyncadd.s32 $0xFFFFFF80  }
0xa3: {  	s29 =	sld [smem:$0x10];
	_ =	sdelay $0x3  }
0xa4: {  	s30 =	simm.s32 $0x0;
	[smem:$0x510] =	sst s29  }
0xa5: {  	[smem:$0x410] =	sst s30  }
0xa6: {  	s8 =	sld [smem:$0x11]  }
0xa7: {  	s31 =	sld [smem:$0x510];
	_ =	sdelay $0x3  }
0xa8: {  	p0 =	sgt.f32 s8, s31  }
0xa9: {  	s6 =	simm.s32 $0x11;
	s7 =	simm.s32 $0x2;
	s4 =	sadd.s32 $0x4800, s3  }
0xaa: {  	s3 =	sadd.s32 $0x4A00, s3;
	s5 =	simm.s32 $0x1;
	[smem:$0x510] =	sst @p0 s8  }
.LBB1_2:
0xab: {  	[smem:$0x410] =	sst @p0 s5  }
0xac: {  	s6 =	sadd.s32 $0x1, s6;
	s5 =	smov.u32 s7;
	s7 =	sadd.s32 $0x1, s7  }
0xad: {  	s8 =	sld [smem:s6+$0x0];
	p1 =	sne.s32 s7, $0x40  }
0xae: {  	s9 =	sld [smem:$0x510];
	_ =	sdelay $0x2  }
.Ltmp1:
0xaf: {  	(pc) =	sbr.rel @p1 .LBB1_2-.Ltmp1, $2  }
0xb0: {  	p0 =	sgt.f32 s8, s9;
	_ =	sdelay $0x1  }
0xb1: {  	[smem:$0x510] =	sst @p0 s8  }
0xb2: {  	[smem:$0x410] =	sst @p0 s5;
	s31 =	simm.s32 $0xF149F2CA  }
0xb3: {  	s5 =	simm.s32 $0x0;
	[smem:$0x511] =	sst s31  }
0xb4: {  	[smem:$0x411] =	sst s5  }
0xb5: {  	s8 =	sld [smem:$0x10]  }
0xb6: {  	s6 =	sld [smem:$0x410]  }
0xb7: {  	s7 =	sld [smem:$0x511];
	_ =	sdelay $0x2  }
0xb8: {  	p0 =	seq.s32 s6, $0x0  }
0xb9: {  	p1 =	sgt.f32 @!p0 s8, s7;
	_ =	sdelay $0x1  }
0xba: {  	p1 =	por !p1, p0  }
0xbb: {  	s6 =	simm.s32 $0x10;
	s7 =	simm.s32 $0x1;
	[smem:$0x511] =	sst @!p1 s8  }
.LBB1_4:
0xbc: {  	[smem:$0x411] =	sst @!p1 s5  }
0xbd: {  	s6 =	sadd.s32 $0x1, s6;
	s5 =	smov.u32 s7;
	s7 =	sadd.s32 $0x1, s7  }
0xbe: {  	s8 =	sld [smem:s6+$0x0];
	p0 =	sne.s32 s7, $0x40  }
0xbf: {  	s9 =	sld [smem:$0x410]  }
0xc0: {  	s10 =	sld [smem:$0x511];
	_ =	sdelay $0x2  }
0xc1: {  	p1 =	seq.s32 s5, s9  }
.Ltmp2:
0xc2: {  	p2 =	sgt.f32 @!p1 s8, s10;
	(pc) =	sbr.rel @p0 .LBB1_4-.Ltmp2, $3  }
0xc3: {  	_ = 	snop  }
0xc4: {  	p1 =	por !p2, p1  }
0xc5: {  	[smem:$0x511] =	sst @!p1 s8  }
0xc6: {  	[smem:$0x411] =	sst @!p1 s5  }
0xc7: {  	s5 =	sld [smem:$0x90];
	_ =	sdelay $0x3  }
0xc8: {  	s30 =	simm.s32 $0x0;
	[smem:$0x590] =	sst s5  }
0xc9: {  	[smem:$0x490] =	sst s30  }
0xca: {  	s8 =	sld [smem:$0x91]  }
0xcb: {  	s31 =	sld [smem:$0x590];
	_ =	sdelay $0x3  }
0xcc: {  	p0 =	sgt.f32 s8, s31  }
0xcd: {  	s6 =	simm.s32 $0x91  }
0xce: {  	s7 =	simm.s32 $0x2;
	s5 =	simm.s32 $0x1;
	[smem:$0x590] =	sst @p0 s8  }
.LBB1_6:
0xcf: {  	[smem:$0x490] =	sst @p0 s5  }
0xd0: {  	s6 =	sadd.s32 $0x1, s6;
	s5 =	smov.u32 s7;
	s7 =	sadd.s32 $0x1, s7  }
0xd1: {  	s8 =	sld [smem:s6+$0x0];
	p1 =	sne.s32 s7, $0x40  }
0xd2: {  	s9 =	sld [smem:$0x590];
	_ =	sdelay $0x2  }
.Ltmp3:
0xd3: {  	(pc) =	sbr.rel @p1 .LBB1_6-.Ltmp3, $2  }
0xd4: {  	p0 =	sgt.f32 s8, s9;
	_ =	sdelay $0x1  }
0xd5: {  	[smem:$0x590] =	sst @p0 s8  }
0xd6: {  	[smem:$0x490] =	sst @p0 s5;
	s31 =	simm.s32 $0xF149F2CA  }
0xd7: {  	s5 =	simm.s32 $0x0;
	[smem:$0x591] =	sst s31  }
0xd8: {  	[smem:$0x491] =	sst s5  }
0xd9: {  	s8 =	sld [smem:$0x90]  }
0xda: {  	s6 =	sld [smem:$0x490]  }
0xdb: {  	s7 =	sld [smem:$0x591];
	_ =	sdelay $0x2  }
0xdc: {  	p0 =	seq.s32 s6, $0x0  }
0xdd: {  	p1 =	sgt.f32 @!p0 s8, s7;
	_ =	sdelay $0x1  }
0xde: {  	p1 =	por !p1, p0  }
0xdf: {  	s6 =	simm.s32 $0x90;
	s7 =	simm.s32 $0x1;
	[smem:$0x591] =	sst @!p1 s8  }
.LBB1_8:
0xe0: {  	[smem:$0x491] =	sst @!p1 s5  }
0xe1: {  	s6 =	sadd.s32 $0x1, s6;
	s5 =	smov.u32 s7;
	s7 =	sadd.s32 $0x1, s7  }
0xe2: {  	s8 =	sld [smem:s6+$0x0];
	p0 =	sne.s32 s7, $0x40  }
0xe3: {  	s9 =	sld [smem:$0x490]  }
0xe4: {  	s10 =	sld [smem:$0x591];
	_ =	sdelay $0x2  }
0xe5: {  	p1 =	seq.s32 s5, s9  }
.Ltmp4:
0xe6: {  	p2 =	sgt.f32 @!p1 s8, s10;
	(pc) =	sbr.rel @p0 .LBB1_8-.Ltmp4, $3  }
0xe7: {  	_ = 	snop  }
0xe8: {  	p1 =	por !p2, p1  }
0xe9: {  	[smem:$0x591] =	sst @!p1 s8  }
0xea: {  	[smem:$0x491] =	sst @!p1 s5;
	s29 =	simm.s32 $0x410;
	s30 =	simm.s32 $0x9  }
0xeb: {  	[hbm:s4], [sflag:s2] =	dma.local [smem:s29], $0x20  }
0xec: {  	_ =	swait.ge [sflag:s30], $0x20  }
0xed: {  	[sflag:s30] =	ssyncset.done $0x0  }
0xee: {  	[sflag:s30] =	ssyncadd.s32 $0xFFFFFFE0  }
0xef: {  	s31 =	simm.s32 $0x510  }
0xf0: {  	[hbm:s3], [sflag:s2] =	dma.local [smem:s31], $0x20  }
0xf1: {  	_ =	swait.ge [sflag:s30], $0x20  }
0xf2: {  	[sflag:s30] =	ssyncset.done $0x0  }
0xf3: {  	[sflag:s30] =	ssyncadd.s32 $0xFFFFFFE0  }
.LBB1_10:
0xf4: {  	_ =	strace $0x90000046  }
0xf5: {  	_ =	sfence  }
0xf6: {  	s2 =	sld [smem:$0x0];
	_ =	sdelay $0x2  }
0xf7: {  	s3 =	sshll.u32 s1, $0xD;
	s31 =	sshrl.u32 s1, $0x2  }
0xf8: {  	s3 =	sand.u32 $0x4000, s3;
	s1 =	sadd.s32 s31, s2  }
0xf9: {  	s0 =	sor.u32 s3, s0;
	s1 =	sshll.u32 s1, $0x11  }
0xfa: {  	s0 =	sor.u32 s1, s0  }
0xfb: {  	s0 =	sadd.s32 $0x8F2B, s0;
	(pc) =	sbr.abs _section_cstart, $3  }
0xfc: {  	[sflag:s0] =	ssyncadd.remote.s32 $0x1  }
0xfd: {  	_ =	strace $0x9FFFFFFF  }
0xfe: {  	(tm) =	ssettm $0x7FFFFFFF  }
0xff: {  	_ =	shalt  }

</sc_bundles>
